<compile_context>
chip_gen: v7x
topology: tpu7x:2x2x1
jax: 0.10.2.dev20260603
libtpu: 0.0.44.dev20260713+nightly
codegen_flags: <defaults>
</compile_context>

<pallas_src>
import functools

import jax
import jax.numpy as jnp
from jax import lax
from jax.experimental import pallas as pl
from jax.experimental.pallas import tpu as pltpu
from jax.experimental.pallas import tpu_sc as plsc

N = 10000
E = 320000
NC = 2
NS = 16
NW = NC * NS
EPW = E // NW
CH = 80
NCH = EPW // CH
NP = 10240
STRIP = NP // NS

_MESH = plsc.VectorSubcoreMesh(core_axis_name="c", subcore_axis_name="s")
_SC_PARAMS = pltpu.CompilerParams(use_tc_tiling_on_sc=False)


def _deg_body(dst3, z, out, dstbuf, ones, acc, sem):
    c = lax.axis_index("c")
    s = lax.axis_index("s")
    wid = s * NC + c
    pltpu.sync_copy(dst3.at[wid], dstbuf)
    @pl.loop(0, CH)
    def _(i):
        ones[i, :] = jnp.ones((16,), jnp.float32)
    pltpu.sync_copy(z.at[pl.ds(s * STRIP, STRIP)], acc.at[pl.ds(s * STRIP, STRIP)])
    plsc.subcore_barrier()

    @pl.loop(0, NCH)
    def _(j):
        pltpu.sync_copy(ones, acc.at[dstbuf.at[j]], add=True)

    plsc.subcore_barrier()
    pltpu.sync_copy(acc.at[pl.ds(s * STRIP, STRIP)],
                    out.at[c, pl.ds(s * STRIP, STRIP)])


_deg = functools.partial(
    pl.kernel,
    out_type=jax.ShapeDtypeStruct((NC, NP, 16), jnp.float32),
    mesh=_MESH,
    scratch_types=[
        pltpu.VMEM((NCH, CH), jnp.int32),
        pltpu.VMEM((CH, 16), jnp.float32),
        pltpu.VMEM_SHARED((NP, 16), jnp.float32),
        pltpu.SemaphoreType.DMA,
    ],
    compiler_params=_SC_PARAMS,
)(_deg_body)


def _make_scat(D):
    def body(table, src3, dst3, z, out, srcbuf, dstbuf, rows, acc, sem):
        c = lax.axis_index("c")
        s = lax.axis_index("s")
        wid = s * NC + c
        pltpu.sync_copy(src3.at[wid], srcbuf)
        pltpu.sync_copy(dst3.at[wid], dstbuf)
        pltpu.sync_copy(z.at[pl.ds(s * STRIP, STRIP)],
                        acc.at[pl.ds(s * STRIP, STRIP)])
        plsc.subcore_barrier()

        @pl.loop(0, NCH)
        def _(j):
            pltpu.async_copy(table.at[srcbuf.at[j]], rows, sem).wait()
            pltpu.sync_copy(rows, acc.at[dstbuf.at[j]], add=True)

        plsc.subcore_barrier()
        pltpu.sync_copy(acc.at[pl.ds(s * STRIP, STRIP)],
                        out.at[c, pl.ds(s * STRIP, STRIP)])

    return pl.kernel(
        body,
        out_type=jax.ShapeDtypeStruct((NC, NP, D), jnp.float32),
        mesh=_MESH,
        scratch_types=[
            pltpu.VMEM((NCH, CH), jnp.int32),
            pltpu.VMEM((NCH, CH), jnp.int32),
            pltpu.VMEM((CH, D), jnp.float32),
            pltpu.VMEM_SHARED((NP, D), jnp.float32),
            pltpu.SemaphoreType.DMA,
        ],
        compiler_params=_SC_PARAMS,
    )


_scat128 = _make_scat(128)
_scat64 = _make_scat(64)


_RB = 1000


def _dinv_of(degp_ref):
    deg = degp_ref[0, :, 0:1] + degp_ref[1, :, 0:1] + 1.0
    return lax.rsqrt(deg)


def _mm1_body(degp_ref, x_ref, w_ref, o_ref):
    dinv = _dinv_of(degp_ref)
    o_ref[...] = dinv * jnp.dot(x_ref[...], w_ref[...],
                                preferred_element_type=jnp.float32)


def _mm2_body(degp_ref, p_ref, h1p_ref, w_ref, o_ref):
    dinv = _dinv_of(degp_ref)
    t = p_ref[0] + p_ref[1] + h1p_ref[...]
    h1 = jnp.maximum(dinv * t, 0.0)
    o_ref[...] = dinv * jnp.dot(h1, w_ref[...],
                                preferred_element_type=jnp.float32)


def _emb_body(degp_ref, p_ref, h2p_ref, o_ref):
    dinv = _dinv_of(degp_ref)
    o_ref[...] = dinv * (p_ref[0] + p_ref[1] + h2p_ref[...])


_DRB = 400


def _dec_body(a_ref, bt_ref, o_ref):
    o_ref[...] = jnp.dot(a_ref[...], bt_ref[...],
                         preferred_element_type=jnp.float32)


def _degp_spec():
    return pl.BlockSpec((NC, _RB, 16), lambda i: (0, i, 0))


def kernel(x, edge_index, W1, W2):
    src3 = edge_index[0].reshape(NW, NCH, CH)
    dst3 = edge_index[1].reshape(NW, NCH, CH)
    z16 = jnp.zeros((NP, 16), jnp.float32)
    z128 = jnp.zeros((NP, 128), jnp.float32)
    z64 = jnp.zeros((NP, 64), jnp.float32)

    degp = _deg(dst3, z16)

    grid = N // _RB
    h1p = pl.pallas_call(
        _mm1_body,
        grid=(grid,),
        in_specs=[
            _degp_spec(),
            pl.BlockSpec((_RB, 128), lambda i: (i, 0)),
            pl.BlockSpec((128, 128), lambda i: (0, 0)),
        ],
        out_specs=pl.BlockSpec((_RB, 128), lambda i: (i, 0)),
        out_shape=jax.ShapeDtypeStruct((N, 128), jnp.float32),
    )(degp, x, W1)

    p1 = _scat128(h1p, src3, dst3, z128)

    h2p = pl.pallas_call(
        _mm2_body,
        grid=(grid,),
        in_specs=[
            _degp_spec(),
            pl.BlockSpec((NC, _RB, 128), lambda i: (0, i, 0)),
            pl.BlockSpec((_RB, 128), lambda i: (i, 0)),
            pl.BlockSpec((128, 64), lambda i: (0, 0)),
        ],
        out_specs=pl.BlockSpec((_RB, 64), lambda i: (i, 0)),
        out_shape=jax.ShapeDtypeStruct((N, 64), jnp.float32),
    )(degp, p1, h1p, W2)

    p2 = _scat64(h2p, src3, dst3, z64)

    emb = pl.pallas_call(
        _emb_body,
        grid=(grid,),
        in_specs=[
            _degp_spec(),
            pl.BlockSpec((NC, _RB, 64), lambda i: (0, i, 0)),
            pl.BlockSpec((_RB, 64), lambda i: (i, 0)),
        ],
        out_specs=pl.BlockSpec((_RB, 64), lambda i: (i, 0)),
        out_shape=jax.ShapeDtypeStruct((N, 64), jnp.float32),
    )(degp, p2, h2p)

    embT = emb.T
    recon = pl.pallas_call(
        _dec_body,
        grid=(N // _DRB,),
        in_specs=[
            pl.BlockSpec((_DRB, 64), lambda i: (i, 0)),
            pl.BlockSpec((64, N), lambda i: (0, 0)),
        ],
        out_specs=pl.BlockSpec((_DRB, N), lambda i: (i, 0)),
        out_shape=jax.ShapeDtypeStruct((N, N), jnp.float32),
    )(emb, embT)

    return (recon.reshape(-1), emb)

# --- scband reference (transcript-rebuilt; emitter-appended) ---
"""Pipeline reference for scband-gcnmodel-13469017441026 (READ-ONLY COPY).

The authoritative reference and input builder live on the scoring server;
editing this copy changes nothing except your own understanding.
"""

import jax, jax.numpy as jnp
import numpy as np

N_NODES = 10000
N_EDGES = 320000
D_IN = 128
D_HID = 128
D_OUT = 64


def _norm_adj(edge_index, n):
    # add self loops and compute symmetric normalization D^-1/2 A D^-1/2
    src = edge_index[0]
    dst = edge_index[1]
    loop = jnp.arange(n, dtype=src.dtype)
    src = jnp.concatenate([src, loop])
    dst = jnp.concatenate([dst, loop])
    deg = jnp.zeros((n,), dtype=jnp.float32).at[dst].add(1.0)
    dinv = 1.0 / jnp.sqrt(jnp.maximum(deg, 1.0))
    w = dinv[src] * dinv[dst]
    return src, dst, w


def _spmm(h, src, dst, w, n):
    # gather rows by src, scale by normalized edge weight, scatter-add to dst
    msg = jnp.take(h, src, axis=0) * w[:, None]
    return jax.ops.segment_sum(msg, dst, num_segments=n)


def setup_inputs(seed: int = 0):
    key = jax.random.key(seed)
    k1, k2, k3, k4 = jax.random.split(key, 4)
    x = jax.random.normal(k1, (N_NODES, D_IN), dtype=jnp.float32)
    edge_index = jax.random.randint(k2, (2, N_EDGES), 0, N_NODES, dtype=jnp.int32)
    W1 = jax.random.normal(k3, (D_IN, D_HID), dtype=jnp.float32) * (1.0 / np.sqrt(D_IN))
    W2 = jax.random.normal(k4, (D_HID, D_OUT), dtype=jnp.float32) * (1.0 / np.sqrt(D_HID))
    return {"x": x, "edge_index": edge_index, "W1": W1, "W2": W2}


def reference(x, edge_index, W1, W2):
    n = x.shape[0]
    src, dst, w = _norm_adj(edge_index, n)
    # GraphConvolutionSparse: (dropout is identity at eval) x @ W1, spmm, ReLU
    hidden1 = jnp.maximum(_spmm(x @ W1, src, dst, w, n), 0.0)
    # GraphConvolution: act = identity
    embeddings = _spmm(hidden1 @ W2, src, dst, w, n)
    # InnerProductDecoder: z @ z.T flattened, act = identity
    reconstructions = (embeddings @ embeddings.T).reshape(-1)
    return (reconstructions, embeddings)

if __name__ == "__main__":
    import jax
    _d = setup_inputs()
    print(jax.jit(kernel)(*tuple(_d.values())))

</pallas_src>

<mosaic_0001>
#map = affine_map<(d0, d1) -> (0, 0, 0)>
#map1 = affine_map<(d0, d1) -> (0, 0)>
module attributes {stable_mosaic.version = 14 : i64} {
  func.func @_deg_body(%arg0: i32, %arg1: i32, %arg2: memref<32x125x80xi32, #tpu.memory_space<hbm>>, %arg3: memref<10240x16xf32, #tpu.memory_space<hbm>>, %arg4: memref<2x10240x16xf32, #tpu.memory_space<hbm>>, %arg5: memref<125x80xi32, #tpu.memory_space<vmem>>, %arg6: memref<80x16xf32, #tpu.memory_space<vmem>>, %arg7: memref<10240x16xf32, #tpu.memory_space<vmem_shared>>, %arg8: memref<!tpu.dma_semaphore, #tpu.memory_space<semaphore_mem>>) attributes {dimension_semantics = [#tpu.dimension_semantics<core_parallel>, #tpu.dimension_semantics<subcore_parallel>], iteration_bounds = array<i64: 2, 16>, scalar_prefetch = 0 : i64, scratch_operands = 4 : i64, tpu.core_type = #tpu.core_type<sc_vector_subcore>, window_params = [{transform_indices = #map}, {transform_indices = #map1}, {transform_indices = #map}]} {
    %mul3A = arith.constant 2 : i32
    %mul3A_0 = arith.muli %arg1, %mul3A : i32
    %add3A = arith.addi %mul3A_0, %arg0 : i32
    "tpu.region"() ({
      %run_scoped3A = tpu.sem_alloc : memref<!tpu.dma_semaphore, #tpu.memory_space<semaphore_mem>>
      %dma_start3A = arith.constant 0 : i32
      %dma_start3A_19 = arith.constant 0 : i32
      %dma_start3A_20 = tpu.memref_slice %arg2[%add3A, %dma_start3A, %dma_start3A_19] : memref<32x125x80xi32, #tpu.memory_space<hbm>> -> memref<1x125x80xi32, #tpu.memory_space<hbm>>
      %dma_start3A_21 = tpu.memref_squeeze %dma_start3A_20 : memref<1x125x80xi32, #tpu.memory_space<hbm>> -> memref<125x80xi32, #tpu.memory_space<hbm>>
      %dma_start3A_22 = arith.constant 0 : i32
      %dma_start3A_23 = arith.constant 0 : i32
      %dma_start3A_24 = tpu.memref_slice %arg2[%add3A, %dma_start3A_22, %dma_start3A_23] : memref<32x125x80xi32, #tpu.memory_space<hbm>> -> memref<1x125x80xi32, #tpu.memory_space<hbm>>
      %dma_start3A_25 = tpu.memref_squeeze %dma_start3A_24 : memref<1x125x80xi32, #tpu.memory_space<hbm>> -> memref<125x80xi32, #tpu.memory_space<hbm>>
      tpu.enqueue_dma source(%dma_start3A_25 : memref<125x80xi32, #tpu.memory_space<hbm>>) target(%arg5 : memref<125x80xi32, #tpu.memory_space<vmem>>) target_semaphore(%run_scoped3A : memref<!tpu.dma_semaphore, #tpu.memory_space<semaphore_mem>>)
      %dma_wait3A = arith.constant 0 : i32
      %dma_wait3A_26 = arith.constant 0 : i32
      %dma_wait3A_27 = tpu.memref_slice %arg2[%add3A, %dma_wait3A, %dma_wait3A_26] : memref<32x125x80xi32, #tpu.memory_space<hbm>> -> memref<1x125x80xi32, #tpu.memory_space<hbm>>
      %dma_wait3A_28 = tpu.memref_squeeze %dma_wait3A_27 : memref<1x125x80xi32, #tpu.memory_space<hbm>> -> memref<125x80xi32, #tpu.memory_space<hbm>>
      %dma_wait3A_29 = arith.constant 0 : i32
      %dma_wait3A_30 = arith.constant 0 : i32
      %dma_wait3A_31 = tpu.memref_slice %arg2[%add3A, %dma_wait3A_29, %dma_wait3A_30] : memref<32x125x80xi32, #tpu.memory_space<hbm>> -> memref<1x125x80xi32, #tpu.memory_space<hbm>>
      %dma_wait3A_32 = tpu.memref_squeeze %dma_wait3A_31 : memref<1x125x80xi32, #tpu.memory_space<hbm>> -> memref<125x80xi32, #tpu.memory_space<hbm>>
      tpu.wait_dma2 semaphore(%run_scoped3A : memref<!tpu.dma_semaphore, #tpu.memory_space<semaphore_mem>>) src(%dma_wait3A_32 : memref<125x80xi32, #tpu.memory_space<hbm>>) dst(%arg5 : memref<125x80xi32, #tpu.memory_space<vmem>>)
      tpu.yield
    }) : () -> ()
    %scan3A = arith.constant 0 : i32
    %scan3A_1 = arith.constant 80 : i32
    %scan3A_2 = arith.addi %scan3A, %scan3A_1 : i32
    %scan3A_3 = arith.constant 1 : i32
    scf.for %scan3A_19 = %scan3A to %scan3A_2 step %scan3A_3  : i32 {
      %mul3A_20 = arith.constant 1 : i32
      %mul3A_21 = arith.muli %scan3A_19, %mul3A_20 : i32
      %add3A_22 = arith.constant 0 : i32
      %add3A_23 = arith.addi %add3A_22, %mul3A_21 : i32
      %broadcast_in_dim3A = arith.constant 1.000000e+00 : f32
      %broadcast_in_dim3A_24 = vector.broadcast %broadcast_in_dim3A : f32 to vector<16xf32>
      %swap3A = arith.index_cast %add3A_23 : i32 to index
      %swap3A_25 = arith.constant 0 : index
      %swap3A_26 = tpu.vector_load %arg6[%swap3A, %swap3A_25] {strides = array<i32>} : memref<80x16xf32, #tpu.memory_space<vmem>>, vector<1x16xf32>,
      %swap3A_27 = vector.shape_cast %swap3A_26 : vector<1x16xf32> to vector<16xf32>
      %swap3A_28 = vector.shape_cast %broadcast_in_dim3A_24 : vector<16xf32> to vector<1x16xf32>
      tpu.vector_store %arg6[%swap3A, %swap3A_25], %swap3A_28 {strides = array<i32>} : memref<80x16xf32, #tpu.memory_space<vmem>>, vector<1x16xf32>,
    }
    %scan3A_4 = arith.constant 80 : i32
    %mul3A_5 = arith.constant 640 : i32
    %mul3A_6 = arith.muli %arg1, %mul3A_5 : i32
    %mul3A_7 = arith.constant 640 : i32
    %mul3A_8 = arith.muli %arg1, %mul3A_7 : i32
    "tpu.region"() ({
      %run_scoped3A = tpu.sem_alloc : memref<!tpu.dma_semaphore, #tpu.memory_space<semaphore_mem>>
      %dma_start3A = arith.constant 0 : i32
      %dma_start3A_19 = tpu.memref_slice %arg7[%mul3A_8, %dma_start3A] : memref<10240x16xf32, #tpu.memory_space<vmem_shared>> -> memref<640x16xf32, #tpu.memory_space<vmem_shared>>
      %dma_start3A_20 = arith.constant 0 : i32
      %dma_start3A_21 = tpu.memref_slice %arg3[%mul3A_6, %dma_start3A_20] : memref<10240x16xf32, #tpu.memory_space<hbm>> -> memref<640x16xf32, #tpu.memory_space<hbm>>
      tpu.enqueue_dma source(%dma_start3A_21 : memref<640x16xf32, #tpu.memory_space<hbm>>) target(%dma_start3A_19 : memref<640x16xf32, #tpu.memory_space<vmem_shared>>) target_semaphore(%run_scoped3A : memref<!tpu.dma_semaphore, #tpu.memory_space<semaphore_mem>>)
      %dma_wait3A = arith.constant 0 : i32
      %dma_wait3A_22 = tpu.memref_slice %arg7[%mul3A_8, %dma_wait3A] : memref<10240x16xf32, #tpu.memory_space<vmem_shared>> -> memref<640x16xf32, #tpu.memory_space<vmem_shared>>
      %dma_wait3A_23 = arith.constant 0 : i32
      %dma_wait3A_24 = tpu.memref_slice %arg3[%mul3A_6, %dma_wait3A_23] : memref<10240x16xf32, #tpu.memory_space<hbm>> -> memref<640x16xf32, #tpu.memory_space<hbm>>
      tpu.wait_dma2 semaphore(%run_scoped3A : memref<!tpu.dma_semaphore, #tpu.memory_space<semaphore_mem>>) src(%dma_wait3A_24 : memref<640x16xf32, #tpu.memory_space<hbm>>) dst(%dma_wait3A_22 : memref<640x16xf32, #tpu.memory_space<vmem_shared>>)
      tpu.yield
    }) : () -> ()
    %barrier3A = arith.constant 0 : index
    tpu.barrier barrier_id(%barrier3A)
    %scan3A_9 = arith.constant 0 : i32
    %scan3A_10 = arith.constant 125 : i32
    %scan3A_11 = arith.addi %scan3A_9, %scan3A_10 : i32
    %scan3A_12 = arith.constant 1 : i32
    scf.for %scan3A_19 = %scan3A_9 to %scan3A_11 step %scan3A_12  : i32 {
      %mul3A_20 = arith.constant 1 : i32
      %mul3A_21 = arith.muli %scan3A_19, %mul3A_20 : i32
      %add3A_22 = arith.constant 0 : i32
      %add3A_23 = arith.addi %add3A_22, %mul3A_21 : i32
      "tpu.region"() ({
        %run_scoped3A = tpu.sem_alloc : memref<!tpu.dma_semaphore, #tpu.memory_space<semaphore_mem>>
        %dma_start3A = arith.constant 0 : i32
        %dma_start3A_24 = tpu.memref_slice %arg5[%add3A_23, %dma_start3A] : memref<125x80xi32, #tpu.memory_space<vmem>> -> memref<1x80xi32, #tpu.memory_space<vmem>>
        %dma_start3A_25 = tpu.memref_squeeze %dma_start3A_24 : memref<1x80xi32, #tpu.memory_space<vmem>> -> memref<80xi32, #tpu.memory_space<vmem>>
        %dma_start3A_26 = arith.constant 0 : i32
        %dma_start3A_27 = arith.constant 0 : i32
        %dma_start3A_28 = tpu.memref_slice %arg7[%dma_start3A_26, %dma_start3A_27] : memref<10240x16xf32, #tpu.memory_space<vmem_shared>> -> memref<10240x16xf32, #tpu.memory_space<vmem_shared>>
        tpu.enqueue_indirect_dma source(%arg6 : memref<80x16xf32, #tpu.memory_space<vmem>>) target(%dma_start3A_28 : memref<10240x16xf32, #tpu.memory_space<vmem_shared>>) offsets(%dma_start3A_25 : memref<80xi32, #tpu.memory_space<vmem>>) semaphore(%run_scoped3A : memref<!tpu.dma_semaphore, #tpu.memory_space<semaphore_mem>>) {add = true}
        %dma_wait3A = arith.constant 0 : i32
        %dma_wait3A_29 = tpu.memref_slice %arg5[%add3A_23, %dma_wait3A] : memref<125x80xi32, #tpu.memory_space<vmem>> -> memref<1x80xi32, #tpu.memory_space<vmem>>
        %dma_wait3A_30 = tpu.memref_squeeze %dma_wait3A_29 : memref<1x80xi32, #tpu.memory_space<vmem>> -> memref<80xi32, #tpu.memory_space<vmem>>
        %dma_wait3A_31 = arith.constant 0 : i32
        %dma_wait3A_32 = arith.constant 0 : i32
        %dma_wait3A_33 = tpu.memref_slice %arg7[%dma_wait3A_31, %dma_wait3A_32] : memref<10240x16xf32, #tpu.memory_space<vmem_shared>> -> memref<10240x16xf32, #tpu.memory_space<vmem_shared>>
        tpu.wait_indirect_dma semaphore(%run_scoped3A : memref<!tpu.dma_semaphore, #tpu.memory_space<semaphore_mem>>) src(%arg6 : memref<80x16xf32, #tpu.memory_space<vmem>>) dst(%dma_wait3A_33 : memref<10240x16xf32, #tpu.memory_space<vmem_shared>>)
        tpu.yield
      }) : () -> ()
    }
    %scan3A_13 = arith.constant 125 : i32
    %barrier3A_14 = arith.constant 0 : index
    tpu.barrier barrier_id(%barrier3A_14)
    %mul3A_15 = arith.constant 640 : i32
    %mul3A_16 = arith.muli %arg1, %mul3A_15 : i32
    %mul3A_17 = arith.constant 640 : i32
    %mul3A_18 = arith.muli %arg1, %mul3A_17 : i32
    "tpu.region"() ({
      %run_scoped3A = tpu.sem_alloc : memref<!tpu.dma_semaphore, #tpu.memory_space<semaphore_mem>>
      %dma_start3A = arith.constant 0 : i32
      %dma_start3A_19 = tpu.memref_slice %arg4[%arg0, %mul3A_18, %dma_start3A] : memref<2x10240x16xf32, #tpu.memory_space<hbm>> -> memref<1x640x16xf32, #tpu.memory_space<hbm>>
      %dma_start3A_20 = tpu.memref_squeeze %dma_start3A_19 : memref<1x640x16xf32, #tpu.memory_space<hbm>> -> memref<640x16xf32, #tpu.memory_space<hbm>>
      %dma_start3A_21 = arith.constant 0 : i32
      %dma_start3A_22 = tpu.memref_slice %arg7[%mul3A_16, %dma_start3A_21] : memref<10240x16xf32, #tpu.memory_space<vmem_shared>> -> memref<640x16xf32, #tpu.memory_space<vmem_shared>>
      tpu.enqueue_dma source(%dma_start3A_22 : memref<640x16xf32, #tpu.memory_space<vmem_shared>>) target(%dma_start3A_20 : memref<640x16xf32, #tpu.memory_space<hbm>>) target_semaphore(%run_scoped3A : memref<!tpu.dma_semaphore, #tpu.memory_space<semaphore_mem>>)
      %dma_wait3A = arith.constant 0 : i32
      %dma_wait3A_23 = tpu.memref_slice %arg4[%arg0, %mul3A_18, %dma_wait3A] : memref<2x10240x16xf32, #tpu.memory_space<hbm>> -> memref<1x640x16xf32, #tpu.memory_space<hbm>>
      %dma_wait3A_24 = tpu.memref_squeeze %dma_wait3A_23 : memref<1x640x16xf32, #tpu.memory_space<hbm>> -> memref<640x16xf32, #tpu.memory_space<hbm>>
      %dma_wait3A_25 = arith.constant 0 : i32
      %dma_wait3A_26 = tpu.memref_slice %arg7[%mul3A_16, %dma_wait3A_25] : memref<10240x16xf32, #tpu.memory_space<vmem_shared>> -> memref<640x16xf32, #tpu.memory_space<vmem_shared>>
      tpu.wait_dma2 semaphore(%run_scoped3A : memref<!tpu.dma_semaphore, #tpu.memory_space<semaphore_mem>>) src(%dma_wait3A_26 : memref<640x16xf32, #tpu.memory_space<vmem_shared>>) dst(%dma_wait3A_24 : memref<640x16xf32, #tpu.memory_space<hbm>>)
      tpu.yield
    }) : () -> ()
    return
  }
}

#map = affine_map<(d0, d1) -> (0, 0)>
#map1 = affine_map<(d0, d1) -> (0, 0, 0)>
module attributes {stable_mosaic.version = 14 : i64} {
  func.func @body(%arg0: i32, %arg1: i32, %arg2: memref<10000x64xf32, #tpu.memory_space<hbm>>, %arg3: memref<32x125x80xi32, #tpu.memory_space<hbm>>, %arg4: memref<32x125x80xi32, #tpu.memory_space<hbm>>, %arg5: memref<10240x64xf32, #tpu.memory_space<hbm>>, %arg6: memref<2x10240x64xf32, #tpu.memory_space<hbm>>, %arg7: memref<125x80xi32, #tpu.memory_space<vmem>>, %arg8: memref<125x80xi32, #tpu.memory_space<vmem>>, %arg9: memref<80x64xf32, #tpu.memory_space<vmem>>, %arg10: memref<10240x64xf32, #tpu.memory_space<vmem_shared>>, %arg11: memref<!tpu.dma_semaphore, #tpu.memory_space<semaphore_mem>>) attributes {dimension_semantics = [#tpu.dimension_semantics<core_parallel>, #tpu.dimension_semantics<subcore_parallel>], iteration_bounds = array<i64: 2, 16>, scalar_prefetch = 0 : i64, scratch_operands = 5 : i64, tpu.core_type = #tpu.core_type<sc_vector_subcore>, window_params = [{transform_indices = #map}, {transform_indices = #map1}, {transform_indices = #map1}, {transform_indices = #map}, {transform_indices = #map1}]} {
    %mul3A = arith.constant 2 : i32
    %mul3A_0 = arith.muli %arg1, %mul3A : i32
    %add3A = arith.addi %mul3A_0, %arg0 : i32
    "tpu.region"() ({
      %run_scoped3A = tpu.sem_alloc : memref<!tpu.dma_semaphore, #tpu.memory_space<semaphore_mem>>
      %dma_start3A = arith.constant 0 : i32
      %dma_start3A_14 = arith.constant 0 : i32
      %dma_start3A_15 = tpu.memref_slice %arg3[%add3A, %dma_start3A, %dma_start3A_14] : memref<32x125x80xi32, #tpu.memory_space<hbm>> -> memref<1x125x80xi32, #tpu.memory_space<hbm>>
      %dma_start3A_16 = tpu.memref_squeeze %dma_start3A_15 : memref<1x125x80xi32, #tpu.memory_space<hbm>> -> memref<125x80xi32, #tpu.memory_space<hbm>>
      %dma_start3A_17 = arith.constant 0 : i32
      %dma_start3A_18 = arith.constant 0 : i32
      %dma_start3A_19 = tpu.memref_slice %arg3[%add3A, %dma_start3A_17, %dma_start3A_18] : memref<32x125x80xi32, #tpu.memory_space<hbm>> -> memref<1x125x80xi32, #tpu.memory_space<hbm>>
      %dma_start3A_20 = tpu.memref_squeeze %dma_start3A_19 : memref<1x125x80xi32, #tpu.memory_space<hbm>> -> memref<125x80xi32, #tpu.memory_space<hbm>>
      tpu.enqueue_dma source(%dma_start3A_20 : memref<125x80xi32, #tpu.memory_space<hbm>>) target(%arg7 : memref<125x80xi32, #tpu.memory_space<vmem>>) target_semaphore(%run_scoped3A : memref<!tpu.dma_semaphore, #tpu.memory_space<semaphore_mem>>)
      %dma_wait3A = arith.constant 0 : i32
      %dma_wait3A_21 = arith.constant 0 : i32
      %dma_wait3A_22 = tpu.memref_slice %arg3[%add3A, %dma_wait3A, %dma_wait3A_21] : memref<32x125x80xi32, #tpu.memory_space<hbm>> -> memref<1x125x80xi32, #tpu.memory_space<hbm>>
      %dma_wait3A_23 = tpu.memref_squeeze %dma_wait3A_22 : memref<1x125x80xi32, #tpu.memory_space<hbm>> -> memref<125x80xi32, #tpu.memory_space<hbm>>
      %dma_wait3A_24 = arith.constant 0 : i32
      %dma_wait3A_25 = arith.constant 0 : i32
      %dma_wait3A_26 = tpu.memref_slice %arg3[%add3A, %dma_wait3A_24, %dma_wait3A_25] : memref<32x125x80xi32, #tpu.memory_space<hbm>> -> memref<1x125x80xi32, #tpu.memory_space<hbm>>
      %dma_wait3A_27 = tpu.memref_squeeze %dma_wait3A_26 : memref<1x125x80xi32, #tpu.memory_space<hbm>> -> memref<125x80xi32, #tpu.memory_space<hbm>>
      tpu.wait_dma2 semaphore(%run_scoped3A : memref<!tpu.dma_semaphore, #tpu.memory_space<semaphore_mem>>) src(%dma_wait3A_27 : memref<125x80xi32, #tpu.memory_space<hbm>>) dst(%arg7 : memref<125x80xi32, #tpu.memory_space<vmem>>)
      tpu.yield
    }) : () -> ()
    "tpu.region"() ({
      %run_scoped3A = tpu.sem_alloc : memref<!tpu.dma_semaphore, #tpu.memory_space<semaphore_mem>>
      %dma_start3A = arith.constant 0 : i32
      %dma_start3A_14 = arith.constant 0 : i32
      %dma_start3A_15 = tpu.memref_slice %arg4[%add3A, %dma_start3A, %dma_start3A_14] : memref<32x125x80xi32, #tpu.memory_space<hbm>> -> memref<1x125x80xi32, #tpu.memory_space<hbm>>
      %dma_start3A_16 = tpu.memref_squeeze %dma_start3A_15 : memref<1x125x80xi32, #tpu.memory_space<hbm>> -> memref<125x80xi32, #tpu.memory_space<hbm>>
      %dma_start3A_17 = arith.constant 0 : i32
      %dma_start3A_18 = arith.constant 0 : i32
      %dma_start3A_19 = tpu.memref_slice %arg4[%add3A, %dma_start3A_17, %dma_start3A_18] : memref<32x125x80xi32, #tpu.memory_space<hbm>> -> memref<1x125x80xi32, #tpu.memory_space<hbm>>
      %dma_start3A_20 = tpu.memref_squeeze %dma_start3A_19 : memref<1x125x80xi32, #tpu.memory_space<hbm>> -> memref<125x80xi32, #tpu.memory_space<hbm>>
      tpu.enqueue_dma source(%dma_start3A_20 : memref<125x80xi32, #tpu.memory_space<hbm>>) target(%arg8 : memref<125x80xi32, #tpu.memory_space<vmem>>) target_semaphore(%run_scoped3A : memref<!tpu.dma_semaphore, #tpu.memory_space<semaphore_mem>>)
      %dma_wait3A = arith.constant 0 : i32
      %dma_wait3A_21 = arith.constant 0 : i32
      %dma_wait3A_22 = tpu.memref_slice %arg4[%add3A, %dma_wait3A, %dma_wait3A_21] : memref<32x125x80xi32, #tpu.memory_space<hbm>> -> memref<1x125x80xi32, #tpu.memory_space<hbm>>
      %dma_wait3A_23 = tpu.memref_squeeze %dma_wait3A_22 : memref<1x125x80xi32, #tpu.memory_space<hbm>> -> memref<125x80xi32, #tpu.memory_space<hbm>>
      %dma_wait3A_24 = arith.constant 0 : i32
      %dma_wait3A_25 = arith.constant 0 : i32
      %dma_wait3A_26 = tpu.memref_slice %arg4[%add3A, %dma_wait3A_24, %dma_wait3A_25] : memref<32x125x80xi32, #tpu.memory_space<hbm>> -> memref<1x125x80xi32, #tpu.memory_space<hbm>>
      %dma_wait3A_27 = tpu.memref_squeeze %dma_wait3A_26 : memref<1x125x80xi32, #tpu.memory_space<hbm>> -> memref<125x80xi32, #tpu.memory_space<hbm>>
      tpu.wait_dma2 semaphore(%run_scoped3A : memref<!tpu.dma_semaphore, #tpu.memory_space<semaphore_mem>>) src(%dma_wait3A_27 : memref<125x80xi32, #tpu.memory_space<hbm>>) dst(%arg8 : memref<125x80xi32, #tpu.memory_space<vmem>>)
      tpu.yield
    }) : () -> ()
    %mul3A_1 = arith.constant 640 : i32
    %mul3A_2 = arith.muli %arg1, %mul3A_1 : i32
    %mul3A_3 = arith.constant 640 : i32
    %mul3A_4 = arith.muli %arg1, %mul3A_3 : i32
    "tpu.region"() ({
      %run_scoped3A = tpu.sem_alloc : memref<!tpu.dma_semaphore, #tpu.memory_space<semaphore_mem>>
      %dma_start3A = arith.constant 0 : i32
      %dma_start3A_14 = tpu.memref_slice %arg10[%mul3A_4, %dma_start3A] : memref<10240x64xf32, #tpu.memory_space<vmem_shared>> -> memref<640x64xf32, #tpu.memory_space<vmem_shared>>
      %dma_start3A_15 = arith.constant 0 : i32
      %dma_start3A_16 = tpu.memref_slice %arg5[%mul3A_2, %dma_start3A_15] : memref<10240x64xf32, #tpu.memory_space<hbm>> -> memref<640x64xf32, #tpu.memory_space<hbm>>
      tpu.enqueue_dma source(%dma_start3A_16 : memref<640x64xf32, #tpu.memory_space<hbm>>) target(%dma_start3A_14 : memref<640x64xf32, #tpu.memory_space<vmem_shared>>) target_semaphore(%run_scoped3A : memref<!tpu.dma_semaphore, #tpu.memory_space<semaphore_mem>>)
      %dma_wait3A = arith.constant 0 : i32
      %dma_wait3A_17 = tpu.memref_slice %arg10[%mul3A_4, %dma_wait3A] : memref<10240x64xf32, #tpu.memory_space<vmem_shared>> -> memref<640x64xf32, #tpu.memory_space<vmem_shared>>
      %dma_wait3A_18 = arith.constant 0 : i32
      %dma_wait3A_19 = tpu.memref_slice %arg5[%mul3A_2, %dma_wait3A_18] : memref<10240x64xf32, #tpu.memory_space<hbm>> -> memref<640x64xf32, #tpu.memory_space<hbm>>
      tpu.wait_dma2 semaphore(%run_scoped3A : memref<!tpu.dma_semaphore, #tpu.memory_space<semaphore_mem>>) src(%dma_wait3A_19 : memref<640x64xf32, #tpu.memory_space<hbm>>) dst(%dma_wait3A_17 : memref<640x64xf32, #tpu.memory_space<vmem_shared>>)
      tpu.yield
    }) : () -> ()
    %barrier3A = arith.constant 0 : index
    tpu.barrier barrier_id(%barrier3A)
    %scan3A = arith.constant 0 : i32
    %scan3A_5 = arith.constant 125 : i32
    %scan3A_6 = arith.addi %scan3A, %scan3A_5 : i32
    %scan3A_7 = arith.constant 1 : i32
    scf.for %scan3A_14 = %scan3A to %scan3A_6 step %scan3A_7  : i32 {
      %mul3A_15 = arith.constant 1 : i32
      %mul3A_16 = arith.muli %scan3A_14, %mul3A_15 : i32
      %add3A_17 = arith.constant 0 : i32
      %add3A_18 = arith.addi %add3A_17, %mul3A_16 : i32
      %dma_start3A = arith.constant 0 : i32
      %dma_start3A_19 = tpu.memref_slice %arg7[%add3A_18, %dma_start3A] : memref<125x80xi32, #tpu.memory_space<vmem>> -> memref<1x80xi32, #tpu.memory_space<vmem>>
      %dma_start3A_20 = tpu.memref_squeeze %dma_start3A_19 : memref<1x80xi32, #tpu.memory_space<vmem>> -> memref<80xi32, #tpu.memory_space<vmem>>
      %dma_start3A_21 = arith.constant 0 : i32
      %dma_start3A_22 = arith.constant 0 : i32
      %dma_start3A_23 = tpu.memref_slice %arg2[%dma_start3A_21, %dma_start3A_22] : memref<10000x64xf32, #tpu.memory_space<hbm>> -> memref<10000x64xf32, #tpu.memory_space<hbm>>
      tpu.enqueue_indirect_dma source(%dma_start3A_23 : memref<10000x64xf32, #tpu.memory_space<hbm>>) target(%arg9 : memref<80x64xf32, #tpu.memory_space<vmem>>) offsets(%dma_start3A_20 : memref<80xi32, #tpu.memory_space<vmem>>) semaphore(%arg11 : memref<!tpu.dma_semaphore, #tpu.memory_space<semaphore_mem>>)
      %dma_wait3A = arith.constant 0 : i32
      %dma_wait3A_24 = tpu.memref_slice %arg7[%add3A_18, %dma_wait3A] : memref<125x80xi32, #tpu.memory_space<vmem>> -> memref<1x80xi32, #tpu.memory_space<vmem>>
      %dma_wait3A_25 = tpu.memref_squeeze %dma_wait3A_24 : memref<1x80xi32, #tpu.memory_space<vmem>> -> memref<80xi32, #tpu.memory_space<vmem>>
      %dma_wait3A_26 = arith.constant 0 : i32
      %dma_wait3A_27 = arith.constant 0 : i32
      %dma_wait3A_28 = tpu.memref_slice %arg2[%dma_wait3A_26, %dma_wait3A_27] : memref<10000x64xf32, #tpu.memory_space<hbm>> -> memref<10000x64xf32, #tpu.memory_space<hbm>>
      tpu.wait_indirect_dma semaphore(%arg11 : memref<!tpu.dma_semaphore, #tpu.memory_space<semaphore_mem>>) src(%dma_wait3A_28 : memref<10000x64xf32, #tpu.memory_space<hbm>>) dst(%arg9 : memref<80x64xf32, #tpu.memory_space<vmem>>)
      "tpu.region"() ({
        %run_scoped3A = tpu.sem_alloc : memref<!tpu.dma_semaphore, #tpu.memory_space<semaphore_mem>>
        %dma_start3A_29 = arith.constant 0 : i32
        %dma_start3A_30 = tpu.memref_slice %arg8[%add3A_18, %dma_start3A_29] : memref<125x80xi32, #tpu.memory_space<vmem>> -> memref<1x80xi32, #tpu.memory_space<vmem>>
        %dma_start3A_31 = tpu.memref_squeeze %dma_start3A_30 : memref<1x80xi32, #tpu.memory_space<vmem>> -> memref<80xi32, #tpu.memory_space<vmem>>
        %dma_start3A_32 = arith.constant 0 : i32
        %dma_start3A_33 = arith.constant 0 : i32
        %dma_start3A_34 = tpu.memref_slice %arg10[%dma_start3A_32, %dma_start3A_33] : memref<10240x64xf32, #tpu.memory_space<vmem_shared>> -> memref<10240x64xf32, #tpu.memory_space<vmem_shared>>
        tpu.enqueue_indirect_dma source(%arg9 : memref<80x64xf32, #tpu.memory_space<vmem>>) target(%dma_start3A_34 : memref<10240x64xf32, #tpu.memory_space<vmem_shared>>) offsets(%dma_start3A_31 : memref<80xi32, #tpu.memory_space<vmem>>) semaphore(%run_scoped3A : memref<!tpu.dma_semaphore, #tpu.memory_space<semaphore_mem>>) {add = true}
        %dma_wait3A_35 = arith.constant 0 : i32
        %dma_wait3A_36 = tpu.memref_slice %arg8[%add3A_18, %dma_wait3A_35] : memref<125x80xi32, #tpu.memory_space<vmem>> -> memref<1x80xi32, #tpu.memory_space<vmem>>
        %dma_wait3A_37 = tpu.memref_squeeze %dma_wait3A_36 : memref<1x80xi32, #tpu.memory_space<vmem>> -> memref<80xi32, #tpu.memory_space<vmem>>
        %dma_wait3A_38 = arith.constant 0 : i32
        %dma_wait3A_39 = arith.constant 0 : i32
        %dma_wait3A_40 = tpu.memref_slice %arg10[%dma_wait3A_38, %dma_wait3A_39] : memref<10240x64xf32, #tpu.memory_space<vmem_shared>> -> memref<10240x64xf32, #tpu.memory_space<vmem_shared>>
        tpu.wait_indirect_dma semaphore(%run_scoped3A : memref<!tpu.dma_semaphore, #tpu.memory_space<semaphore_mem>>) src(%arg9 : memref<80x64xf32, #tpu.memory_space<vmem>>) dst(%dma_wait3A_40 : memref<10240x64xf32, #tpu.memory_space<vmem_shared>>)
        tpu.yield
      }) : () -> ()
    }
    %scan3A_8 = arith.constant 125 : i32
    %barrier3A_9 = arith.constant 0 : index
    tpu.barrier barrier_id(%barrier3A_9)
    %mul3A_10 = arith.constant 640 : i32
    %mul3A_11 = arith.muli %arg1, %mul3A_10 : i32
    %mul3A_12 = arith.constant 640 : i32
    %mul3A_13 = arith.muli %arg1, %mul3A_12 : i32
    "tpu.region"() ({
      %run_scoped3A = tpu.sem_alloc : memref<!tpu.dma_semaphore, #tpu.memory_space<semaphore_mem>>
      %dma_start3A = arith.constant 0 : i32
      %dma_start3A_14 = tpu.memref_slice %arg6[%arg0, %mul3A_13, %dma_start3A] : memref<2x10240x64xf32, #tpu.memory_space<hbm>> -> memref<1x640x64xf32, #tpu.memory_space<hbm>>
      %dma_start3A_15 = tpu.memref_squeeze %dma_start3A_14 : memref<1x640x64xf32, #tpu.memory_space<hbm>> -> memref<640x64xf32, #tpu.memory_space<hbm>>
      %dma_start3A_16 = arith.constant 0 : i32
      %dma_start3A_17 = tpu.memref_slice %arg10[%mul3A_11, %dma_start3A_16] : memref<10240x64xf32, #tpu.memory_space<vmem_shared>> -> memref<640x64xf32, #tpu.memory_space<vmem_shared>>
      tpu.enqueue_dma source(%dma_start3A_17 : memref<640x64xf32, #tpu.memory_space<vmem_shared>>) target(%dma_start3A_15 : memref<640x64xf32, #tpu.memory_space<hbm>>) target_semaphore(%run_scoped3A : memref<!tpu.dma_semaphore, #tpu.memory_space<semaphore_mem>>)
      %dma_wait3A = arith.constant 0 : i32
      %dma_wait3A_18 = tpu.memref_slice %arg6[%arg0, %mul3A_13, %dma_wait3A] : memref<2x10240x64xf32, #tpu.memory_space<hbm>> -> memref<1x640x64xf32, #tpu.memory_space<hbm>>
      %dma_wait3A_19 = tpu.memref_squeeze %dma_wait3A_18 : memref<1x640x64xf32, #tpu.memory_space<hbm>> -> memref<640x64xf32, #tpu.memory_space<hbm>>
      %dma_wait3A_20 = arith.constant 0 : i32
      %dma_wait3A_21 = tpu.memref_slice %arg10[%mul3A_11, %dma_wait3A_20] : memref<10240x64xf32, #tpu.memory_space<vmem_shared>> -> memref<640x64xf32, #tpu.memory_space<vmem_shared>>
      tpu.wait_dma2 semaphore(%run_scoped3A : memref<!tpu.dma_semaphore, #tpu.memory_space<semaphore_mem>>) src(%dma_wait3A_21 : memref<640x64xf32, #tpu.memory_space<vmem_shared>>) dst(%dma_wait3A_19 : memref<640x64xf32, #tpu.memory_space<hbm>>)
      tpu.yield
    }) : () -> ()
    return
  }
}

#map = affine_map<(d0, d1) -> (0, 0)>
#map1 = affine_map<(d0, d1) -> (0, 0, 0)>
module attributes {stable_mosaic.version = 14 : i64} {
  func.func @body(%arg0: i32, %arg1: i32, %arg2: memref<10000x128xf32, #tpu.memory_space<hbm>>, %arg3: memref<32x125x80xi32, #tpu.memory_space<hbm>>, %arg4: memref<32x125x80xi32, #tpu.memory_space<hbm>>, %arg5: memref<10240x128xf32, #tpu.memory_space<hbm>>, %arg6: memref<2x10240x128xf32, #tpu.memory_space<hbm>>, %arg7: memref<125x80xi32, #tpu.memory_space<vmem>>, %arg8: memref<125x80xi32, #tpu.memory_space<vmem>>, %arg9: memref<80x128xf32, #tpu.memory_space<vmem>>, %arg10: memref<10240x128xf32, #tpu.memory_space<vmem_shared>>, %arg11: memref<!tpu.dma_semaphore, #tpu.memory_space<semaphore_mem>>) attributes {dimension_semantics = [#tpu.dimension_semantics<core_parallel>, #tpu.dimension_semantics<subcore_parallel>], iteration_bounds = array<i64: 2, 16>, scalar_prefetch = 0 : i64, scratch_operands = 5 : i64, tpu.core_type = #tpu.core_type<sc_vector_subcore>, window_params = [{transform_indices = #map}, {transform_indices = #map1}, {transform_indices = #map1}, {transform_indices = #map}, {transform_indices = #map1}]} {
    %mul3A = arith.constant 2 : i32
    %mul3A_0 = arith.muli %arg1, %mul3A : i32
    %add3A = arith.addi %mul3A_0, %arg0 : i32
    "tpu.region"() ({
      %run_scoped3A = tpu.sem_alloc : memref<!tpu.dma_semaphore, #tpu.memory_space<semaphore_mem>>
      %dma_start3A = arith.constant 0 : i32
      %dma_start3A_14 = arith.constant 0 : i32
      %dma_start3A_15 = tpu.memref_slice %arg3[%add3A, %dma_start3A, %dma_start3A_14] : memref<32x125x80xi32, #tpu.memory_space<hbm>> -> memref<1x125x80xi32, #tpu.memory_space<hbm>>
      %dma_start3A_16 = tpu.memref_squeeze %dma_start3A_15 : memref<1x125x80xi32, #tpu.memory_space<hbm>> -> memref<125x80xi32, #tpu.memory_space<hbm>>
      %dma_start3A_17 = arith.constant 0 : i32
      %dma_start3A_18 = arith.constant 0 : i32
      %dma_start3A_19 = tpu.memref_slice %arg3[%add3A, %dma_start3A_17, %dma_start3A_18] : memref<32x125x80xi32, #tpu.memory_space<hbm>> -> memref<1x125x80xi32, #tpu.memory_space<hbm>>
      %dma_start3A_20 = tpu.memref_squeeze %dma_start3A_19 : memref<1x125x80xi32, #tpu.memory_space<hbm>> -> memref<125x80xi32, #tpu.memory_space<hbm>>
      tpu.enqueue_dma source(%dma_start3A_20 : memref<125x80xi32, #tpu.memory_space<hbm>>) target(%arg7 : memref<125x80xi32, #tpu.memory_space<vmem>>) target_semaphore(%run_scoped3A : memref<!tpu.dma_semaphore, #tpu.memory_space<semaphore_mem>>)
      %dma_wait3A = arith.constant 0 : i32
      %dma_wait3A_21 = arith.constant 0 : i32
      %dma_wait3A_22 = tpu.memref_slice %arg3[%add3A, %dma_wait3A, %dma_wait3A_21] : memref<32x125x80xi32, #tpu.memory_space<hbm>> -> memref<1x125x80xi32, #tpu.memory_space<hbm>>
      %dma_wait3A_23 = tpu.memref_squeeze %dma_wait3A_22 : memref<1x125x80xi32, #tpu.memory_space<hbm>> -> memref<125x80xi32, #tpu.memory_space<hbm>>
      %dma_wait3A_24 = arith.constant 0 : i32
      %dma_wait3A_25 = arith.constant 0 : i32
      %dma_wait3A_26 = tpu.memref_slice %arg3[%add3A, %dma_wait3A_24, %dma_wait3A_25] : memref<32x125x80xi32, #tpu.memory_space<hbm>> -> memref<1x125x80xi32, #tpu.memory_space<hbm>>
      %dma_wait3A_27 = tpu.memref_squeeze %dma_wait3A_26 : memref<1x125x80xi32, #tpu.memory_space<hbm>> -> memref<125x80xi32, #tpu.memory_space<hbm>>
      tpu.wait_dma2 semaphore(%run_scoped3A : memref<!tpu.dma_semaphore, #tpu.memory_space<semaphore_mem>>) src(%dma_wait3A_27 : memref<125x80xi32, #tpu.memory_space<hbm>>) dst(%arg7 : memref<125x80xi32, #tpu.memory_space<vmem>>)
      tpu.yield
    }) : () -> ()
    "tpu.region"() ({
      %run_scoped3A = tpu.sem_alloc : memref<!tpu.dma_semaphore, #tpu.memory_space<semaphore_mem>>
      %dma_start3A = arith.constant 0 : i32
      %dma_start3A_14 = arith.constant 0 : i32
      %dma_start3A_15 = tpu.memref_slice %arg4[%add3A, %dma_start3A, %dma_start3A_14] : memref<32x125x80xi32, #tpu.memory_space<hbm>> -> memref<1x125x80xi32, #tpu.memory_space<hbm>>
      %dma_start3A_16 = tpu.memref_squeeze %dma_start3A_15 : memref<1x125x80xi32, #tpu.memory_space<hbm>> -> memref<125x80xi32, #tpu.memory_space<hbm>>
      %dma_start3A_17 = arith.constant 0 : i32
      %dma_start3A_18 = arith.constant 0 : i32
      %dma_start3A_19 = tpu.memref_slice %arg4[%add3A, %dma_start3A_17, %dma_start3A_18] : memref<32x125x80xi32, #tpu.memory_space<hbm>> -> memref<1x125x80xi32, #tpu.memory_space<hbm>>
      %dma_start3A_20 = tpu.memref_squeeze %dma_start3A_19 : memref<1x125x80xi32, #tpu.memory_space<hbm>> -> memref<125x80xi32, #tpu.memory_space<hbm>>
      tpu.enqueue_dma source(%dma_start3A_20 : memref<125x80xi32, #tpu.memory_space<hbm>>) target(%arg8 : memref<125x80xi32, #tpu.memory_space<vmem>>) target_semaphore(%run_scoped3A : memref<!tpu.dma_semaphore, #tpu.memory_space<semaphore_mem>>)
      %dma_wait3A = arith.constant 0 : i32
      %dma_wait3A_21 = arith.constant 0 : i32
      %dma_wait3A_22 = tpu.memref_slice %arg4[%add3A, %dma_wait3A, %dma_wait3A_21] : memref<32x125x80xi32, #tpu.memory_space<hbm>> -> memref<1x125x80xi32, #tpu.memory_space<hbm>>
      %dma_wait3A_23 = tpu.memref_squeeze %dma_wait3A_22 : memref<1x125x80xi32, #tpu.memory_space<hbm>> -> memref<125x80xi32, #tpu.memory_space<hbm>>
      %dma_wait3A_24 = arith.constant 0 : i32
      %dma_wait3A_25 = arith.constant 0 : i32
      %dma_wait3A_26 = tpu.memref_slice %arg4[%add3A, %dma_wait3A_24, %dma_wait3A_25] : memref<32x125x80xi32, #tpu.memory_space<hbm>> -> memref<1x125x80xi32, #tpu.memory_space<hbm>>
      %dma_wait3A_27 = tpu.memref_squeeze %dma_wait3A_26 : memref<1x125x80xi32, #tpu.memory_space<hbm>> -> memref<125x80xi32, #tpu.memory_space<hbm>>
      tpu.wait_dma2 semaphore(%run_scoped3A : memref<!tpu.dma_semaphore, #tpu.memory_space<semaphore_mem>>) src(%dma_wait3A_27 : memref<125x80xi32, #tpu.memory_space<hbm>>) dst(%arg8 : memref<125x80xi32, #tpu.memory_space<vmem>>)
      tpu.yield
    }) : () -> ()
    %mul3A_1 = arith.constant 640 : i32
    %mul3A_2 = arith.muli %arg1, %mul3A_1 : i32
    %mul3A_3 = arith.constant 640 : i32
    %mul3A_4 = arith.muli %arg1, %mul3A_3 : i32
    "tpu.region"() ({
      %run_scoped3A = tpu.sem_alloc : memref<!tpu.dma_semaphore, #tpu.memory_space<semaphore_mem>>
      %dma_start3A = arith.constant 0 : i32
      %dma_start3A_14 = tpu.memref_slice %arg10[%mul3A_4, %dma_start3A] : memref<10240x128xf32, #tpu.memory_space<vmem_shared>> -> memref<640x128xf32, #tpu.memory_space<vmem_shared>>
      %dma_start3A_15 = arith.constant 0 : i32
      %dma_start3A_16 = tpu.memref_slice %arg5[%mul3A_2, %dma_start3A_15] : memref<10240x128xf32, #tpu.memory_space<hbm>> -> memref<640x128xf32, #tpu.memory_space<hbm>>
      tpu.enqueue_dma source(%dma_start3A_16 : memref<640x128xf32, #tpu.memory_space<hbm>>) target(%dma_start3A_14 : memref<640x128xf32, #tpu.memory_space<vmem_shared>>) target_semaphore(%run_scoped3A : memref<!tpu.dma_semaphore, #tpu.memory_space<semaphore_mem>>)
      %dma_wait3A = arith.constant 0 : i32
      %dma_wait3A_17 = tpu.memref_slice %arg10[%mul3A_4, %dma_wait3A] : memref<10240x128xf32, #tpu.memory_space<vmem_shared>> -> memref<640x128xf32, #tpu.memory_space<vmem_shared>>
      %dma_wait3A_18 = arith.constant 0 : i32
      %dma_wait3A_19 = tpu.memref_slice %arg5[%mul3A_2, %dma_wait3A_18] : memref<10240x128xf32, #tpu.memory_space<hbm>> -> memref<640x128xf32, #tpu.memory_space<hbm>>
      tpu.wait_dma2 semaphore(%run_scoped3A : memref<!tpu.dma_semaphore, #tpu.memory_space<semaphore_mem>>) src(%dma_wait3A_19 : memref<640x128xf32, #tpu.memory_space<hbm>>) dst(%dma_wait3A_17 : memref<640x128xf32, #tpu.memory_space<vmem_shared>>)
      tpu.yield
    }) : () -> ()
    %barrier3A = arith.constant 0 : index
    tpu.barrier barrier_id(%barrier3A)
    %scan3A = arith.constant 0 : i32
    %scan3A_5 = arith.constant 125 : i32
    %scan3A_6 = arith.addi %scan3A, %scan3A_5 : i32
    %scan3A_7 = arith.constant 1 : i32
    scf.for %scan3A_14 = %scan3A to %scan3A_6 step %scan3A_7  : i32 {
      %mul3A_15 = arith.constant 1 : i32
      %mul3A_16 = arith.muli %scan3A_14, %mul3A_15 : i32
      %add3A_17 = arith.constant 0 : i32
      %add3A_18 = arith.addi %add3A_17, %mul3A_16 : i32
      %dma_start3A = arith.constant 0 : i32
      %dma_start3A_19 = tpu.memref_slice %arg7[%add3A_18, %dma_start3A] : memref<125x80xi32, #tpu.memory_space<vmem>> -> memref<1x80xi32, #tpu.memory_space<vmem>>
      %dma_start3A_20 = tpu.memref_squeeze %dma_start3A_19 : memref<1x80xi32, #tpu.memory_space<vmem>> -> memref<80xi32, #tpu.memory_space<vmem>>
      %dma_start3A_21 = arith.constant 0 : i32
      %dma_start3A_22 = arith.constant 0 : i32
      %dma_start3A_23 = tpu.memref_slice %arg2[%dma_start3A_21, %dma_start3A_22] : memref<10000x128xf32, #tpu.memory_space<hbm>> -> memref<10000x128xf32, #tpu.memory_space<hbm>>
      tpu.enqueue_indirect_dma source(%dma_start3A_23 : memref<10000x128xf32, #tpu.memory_space<hbm>>) target(%arg9 : memref<80x128xf32, #tpu.memory_space<vmem>>) offsets(%dma_start3A_20 : memref<80xi32, #tpu.memory_space<vmem>>) semaphore(%arg11 : memref<!tpu.dma_semaphore, #tpu.memory_space<semaphore_mem>>)
      %dma_wait3A = arith.constant 0 : i32
      %dma_wait3A_24 = tpu.memref_slice %arg7[%add3A_18, %dma_wait3A] : memref<125x80xi32, #tpu.memory_space<vmem>> -> memref<1x80xi32, #tpu.memory_space<vmem>>
      %dma_wait3A_25 = tpu.memref_squeeze %dma_wait3A_24 : memref<1x80xi32, #tpu.memory_space<vmem>> -> memref<80xi32, #tpu.memory_space<vmem>>
      %dma_wait3A_26 = arith.constant 0 : i32
      %dma_wait3A_27 = arith.constant 0 : i32
      %dma_wait3A_28 = tpu.memref_slice %arg2[%dma_wait3A_26, %dma_wait3A_27] : memref<10000x128xf32, #tpu.memory_space<hbm>> -> memref<10000x128xf32, #tpu.memory_space<hbm>>
      tpu.wait_indirect_dma semaphore(%arg11 : memref<!tpu.dma_semaphore, #tpu.memory_space<semaphore_mem>>) src(%dma_wait3A_28 : memref<10000x128xf32, #tpu.memory_space<hbm>>) dst(%arg9 : memref<80x128xf32, #tpu.memory_space<vmem>>)
      "tpu.region"() ({
        %run_scoped3A = tpu.sem_alloc : memref<!tpu.dma_semaphore, #tpu.memory_space<semaphore_mem>>
        %dma_start3A_29 = arith.constant 0 : i32
        %dma_start3A_30 = tpu.memref_slice %arg8[%add3A_18, %dma_start3A_29] : memref<125x80xi32, #tpu.memory_space<vmem>> -> memref<1x80xi32, #tpu.memory_space<vmem>>
        %dma_start3A_31 = tpu.memref_squeeze %dma_start3A_30 : memref<1x80xi32, #tpu.memory_space<vmem>> -> memref<80xi32, #tpu.memory_space<vmem>>
        %dma_start3A_32 = arith.constant 0 : i32
        %dma_start3A_33 = arith.constant 0 : i32
        %dma_start3A_34 = tpu.memref_slice %arg10[%dma_start3A_32, %dma_start3A_33] : memref<10240x128xf32, #tpu.memory_space<vmem_shared>> -> memref<10240x128xf32, #tpu.memory_space<vmem_shared>>
        tpu.enqueue_indirect_dma source(%arg9 : memref<80x128xf32, #tpu.memory_space<vmem>>) target(%dma_start3A_34 : memref<10240x128xf32, #tpu.memory_space<vmem_shared>>) offsets(%dma_start3A_31 : memref<80xi32, #tpu.memory_space<vmem>>) semaphore(%run_scoped3A : memref<!tpu.dma_semaphore, #tpu.memory_space<semaphore_mem>>) {add = true}
        %dma_wait3A_35 = arith.constant 0 : i32
        %dma_wait3A_36 = tpu.memref_slice %arg8[%add3A_18, %dma_wait3A_35] : memref<125x80xi32, #tpu.memory_space<vmem>> -> memref<1x80xi32, #tpu.memory_space<vmem>>
        %dma_wait3A_37 = tpu.memref_squeeze %dma_wait3A_36 : memref<1x80xi32, #tpu.memory_space<vmem>> -> memref<80xi32, #tpu.memory_space<vmem>>
        %dma_wait3A_38 = arith.constant 0 : i32
        %dma_wait3A_39 = arith.constant 0 : i32
        %dma_wait3A_40 = tpu.memref_slice %arg10[%dma_wait3A_38, %dma_wait3A_39] : memref<10240x128xf32, #tpu.memory_space<vmem_shared>> -> memref<10240x128xf32, #tpu.memory_space<vmem_shared>>
        tpu.wait_indirect_dma semaphore(%run_scoped3A : memref<!tpu.dma_semaphore, #tpu.memory_space<semaphore_mem>>) src(%arg9 : memref<80x128xf32, #tpu.memory_space<vmem>>) dst(%dma_wait3A_40 : memref<10240x128xf32, #tpu.memory_space<vmem_shared>>)
        tpu.yield
      }) : () -> ()
    }
    %scan3A_8 = arith.constant 125 : i32
    %barrier3A_9 = arith.constant 0 : index
    tpu.barrier barrier_id(%barrier3A_9)
    %mul3A_10 = arith.constant 640 : i32
    %mul3A_11 = arith.muli %arg1, %mul3A_10 : i32
    %mul3A_12 = arith.constant 640 : i32
    %mul3A_13 = arith.muli %arg1, %mul3A_12 : i32
    "tpu.region"() ({
      %run_scoped3A = tpu.sem_alloc : memref<!tpu.dma_semaphore, #tpu.memory_space<semaphore_mem>>
      %dma_start3A = arith.constant 0 : i32
      %dma_start3A_14 = tpu.memref_slice %arg6[%arg0, %mul3A_13, %dma_start3A] : memref<2x10240x128xf32, #tpu.memory_space<hbm>> -> memref<1x640x128xf32, #tpu.memory_space<hbm>>
      %dma_start3A_15 = tpu.memref_squeeze %dma_start3A_14 : memref<1x640x128xf32, #tpu.memory_space<hbm>> -> memref<640x128xf32, #tpu.memory_space<hbm>>
      %dma_start3A_16 = arith.constant 0 : i32
      %dma_start3A_17 = tpu.memref_slice %arg10[%mul3A_11, %dma_start3A_16] : memref<10240x128xf32, #tpu.memory_space<vmem_shared>> -> memref<640x128xf32, #tpu.memory_space<vmem_shared>>
      tpu.enqueue_dma source(%dma_start3A_17 : memref<640x128xf32, #tpu.memory_space<vmem_shared>>) target(%dma_start3A_15 : memref<640x128xf32, #tpu.memory_space<hbm>>) target_semaphore(%run_scoped3A : memref<!tpu.dma_semaphore, #tpu.memory_space<semaphore_mem>>)
      %dma_wait3A = arith.constant 0 : i32
      %dma_wait3A_18 = tpu.memref_slice %arg6[%arg0, %mul3A_13, %dma_wait3A] : memref<2x10240x128xf32, #tpu.memory_space<hbm>> -> memref<1x640x128xf32, #tpu.memory_space<hbm>>
      %dma_wait3A_19 = tpu.memref_squeeze %dma_wait3A_18 : memref<1x640x128xf32, #tpu.memory_space<hbm>> -> memref<640x128xf32, #tpu.memory_space<hbm>>
      %dma_wait3A_20 = arith.constant 0 : i32
      %dma_wait3A_21 = tpu.memref_slice %arg10[%mul3A_11, %dma_wait3A_20] : memref<10240x128xf32, #tpu.memory_space<vmem_shared>> -> memref<640x128xf32, #tpu.memory_space<vmem_shared>>
      tpu.wait_dma2 semaphore(%run_scoped3A : memref<!tpu.dma_semaphore, #tpu.memory_space<semaphore_mem>>) src(%dma_wait3A_21 : memref<640x128xf32, #tpu.memory_space<vmem_shared>>) dst(%dma_wait3A_19 : memref<640x128xf32, #tpu.memory_space<hbm>>)
      tpu.yield
    }) : () -> ()
    return
  }
}

module attributes {stable_mosaic.version = 14 : i64} {
  func.func @_mm1_body(%arg0: i32, %arg1: memref<2x1000x16xf32, #tpu.memory_space<vmem>>, %arg2: memref<1000x128xf32, #tpu.memory_space<vmem>>, %arg3: memref<128x128xf32, #tpu.memory_space<vmem>>, %arg4: memref<1000x128xf32, #tpu.memory_space<vmem>>) attributes {dimension_semantics = [#tpu.dimension_semantics<arbitrary>], iteration_bounds = array<i64: 10>, scalar_prefetch = 0 : i64, scratch_operands = 0 : i64, tpu.core_type = #tpu.core_type<tc>, window_params = [{transform_indices = @transform_0, window_bounds = array<i64: 2, 1000, 16>}, {transform_indices = @transform_1, window_bounds = array<i64: 1000, 128>}, {pipeline_mode = #tpu.pipeline_mode<synchronous>, transform_indices = @transform_2, window_bounds = array<i64: 128, 128>}, {transform_indices = @transform_3, window_bounds = array<i64: 1000, 128>}]} {
    %get3A = arith.constant 0 : index
    %get3A_0 = arith.constant 0 : index
    %get3A_1 = arith.constant 0 : index
    %get3A_2 = vector.load %arg1[%get3A, %get3A_0, %get3A_1] : memref<2x1000x16xf32, #tpu.memory_space<vmem>>, vector<1x1000x1xf32>
    %get3A_3 = vector.shape_cast %get3A_2 : vector<1x1000x1xf32> to vector<1000x1xf32>
    %get3A_4 = arith.constant 1 : index
    %get3A_5 = arith.constant 0 : index
    %get3A_6 = arith.constant 0 : index
    %get3A_7 = vector.load %arg1[%get3A_4, %get3A_5, %get3A_6] : memref<2x1000x16xf32, #tpu.memory_space<vmem>>, vector<1x1000x1xf32>
    %get3A_8 = vector.shape_cast %get3A_7 : vector<1x1000x1xf32> to vector<1000x1xf32>
    %add3A = arith.addf %get3A_3, %get3A_8 : vector<1000x1xf32>
    %add3A_9 = arith.constant 1.000000e+00 : f32
    %add3A_10 = vector.broadcast %add3A_9 : f32 to vector<1000x1xf32>
    %add3A_11 = arith.addf %add3A, %add3A_10 : vector<1000x1xf32>
    %rsqrt3A = math.rsqrt %add3A_11 : vector<1000x1xf32>
    %get3A_12 = arith.constant 0 : index
    %get3A_13 = arith.constant 0 : index
    %get3A_14 = vector.load %arg2[%get3A_12, %get3A_13] : memref<1000x128xf32, #tpu.memory_space<vmem>>, vector<1000x128xf32>
    %get3A_15 = arith.constant 0 : index
    %get3A_16 = arith.constant 0 : index
    %get3A_17 = vector.load %arg3[%get3A_15, %get3A_16] : memref<128x128xf32, #tpu.memory_space<vmem>>, vector<128x128xf32>
    %dot_general3A = arith.constant dense<0.000000e+00> : vector<1000x128xf32>
    %dot_general3A_18 = tpu.matmul %get3A_14, %get3A_17, %dot_general3A {dimension_numbers = #tpu.dot_dimension_numbers<[1], [0], [0], [1], [0, 0, 1, 1], [], []>, transpose_lhs_hint = false} : vector<1000x128xf32>, vector<128x128xf32>, vector<1000x128xf32> -> vector<1000x128xf32>
    %mul3A = vector.broadcast %rsqrt3A : vector<1000x1xf32> to vector<1000x128xf32>
    %mul3A_19 = arith.mulf %mul3A, %dot_general3A_18 : vector<1000x128xf32>
    %swap3A = arith.constant 0 : index
    %swap3A_20 = arith.constant 0 : index
    %swap3A_21 = vector.load %arg4[%swap3A, %swap3A_20] : memref<1000x128xf32, #tpu.memory_space<vmem>>, vector<1000x128xf32>
    tpu.vector_store %arg4[%swap3A, %swap3A_20], %mul3A_19 {strides = array<i32>} : memref<1000x128xf32, #tpu.memory_space<vmem>>, vector<1000x128xf32>,
    return
  }
  func.func @transform_0(%arg0: i32) -> (i32, i32, i32) {
    %c0_i32 = arith.constant 0 : i32
    %c0_i32_0 = arith.constant 0 : i32
    %c0_i32_1 = arith.constant 0 : i32
    return %c0_i32, %arg0, %c0_i32_0 : i32, i32, i32
  }
  func.func @transform_1(%arg0: i32) -> (i32, i32) {
    %c0_i32 = arith.constant 0 : i32
    %c0_i32_0 = arith.constant 0 : i32
    return %arg0, %c0_i32 : i32, i32
  }
  func.func @transform_2(%arg0: i32) -> (i32, i32) {
    %c0_i32 = arith.constant 0 : i32
    %c0_i32_0 = arith.constant 0 : i32
    %c0_i32_1 = arith.constant 0 : i32
    return %c0_i32, %c0_i32_0 : i32, i32
  }
  func.func @transform_3(%arg0: i32) -> (i32, i32) {
    %c0_i32 = arith.constant 0 : i32
    %c0_i32_0 = arith.constant 0 : i32
    return %arg0, %c0_i32 : i32, i32
  }
}

module attributes {stable_mosaic.version = 14 : i64} {
  func.func @_mm2_body(%arg0: i32, %arg1: memref<2x1000x16xf32, #tpu.memory_space<vmem>>, %arg2: memref<2x1000x128xf32, #tpu.memory_space<vmem>>, %arg3: memref<1000x128xf32, #tpu.memory_space<vmem>>, %arg4: memref<128x64xf32, #tpu.memory_space<vmem>>, %arg5: memref<1000x64xf32, #tpu.memory_space<vmem>>) attributes {dimension_semantics = [#tpu.dimension_semantics<arbitrary>], iteration_bounds = array<i64: 10>, scalar_prefetch = 0 : i64, scratch_operands = 0 : i64, tpu.core_type = #tpu.core_type<tc>, window_params = [{transform_indices = @transform_0, window_bounds = array<i64: 2, 1000, 16>}, {transform_indices = @transform_1, window_bounds = array<i64: 2, 1000, 128>}, {transform_indices = @transform_2, window_bounds = array<i64: 1000, 128>}, {pipeline_mode = #tpu.pipeline_mode<synchronous>, transform_indices = @transform_3, window_bounds = array<i64: 128, 64>}, {transform_indices = @transform_4, window_bounds = array<i64: 1000, 64>}]} {
    %get3A = arith.constant 0 : index
    %get3A_0 = arith.constant 0 : index
    %get3A_1 = arith.constant 0 : index
    %get3A_2 = vector.load %arg1[%get3A, %get3A_0, %get3A_1] : memref<2x1000x16xf32, #tpu.memory_space<vmem>>, vector<1x1000x1xf32>
    %get3A_3 = vector.shape_cast %get3A_2 : vector<1x1000x1xf32> to vector<1000x1xf32>
    %get3A_4 = arith.constant 1 : index
    %get3A_5 = arith.constant 0 : index
    %get3A_6 = arith.constant 0 : index
    %get3A_7 = vector.load %arg1[%get3A_4, %get3A_5, %get3A_6] : memref<2x1000x16xf32, #tpu.memory_space<vmem>>, vector<1x1000x1xf32>
    %get3A_8 = vector.shape_cast %get3A_7 : vector<1x1000x1xf32> to vector<1000x1xf32>
    %add3A = arith.addf %get3A_3, %get3A_8 : vector<1000x1xf32>
    %add3A_9 = arith.constant 1.000000e+00 : f32
    %add3A_10 = vector.broadcast %add3A_9 : f32 to vector<1000x1xf32>
    %add3A_11 = arith.addf %add3A, %add3A_10 : vector<1000x1xf32>
    %rsqrt3A = math.rsqrt %add3A_11 : vector<1000x1xf32>
    %get3A_12 = arith.constant 0 : index
    %get3A_13 = arith.constant 0 : index
    %get3A_14 = arith.constant 0 : index
    %get3A_15 = vector.load %arg2[%get3A_12, %get3A_13, %get3A_14] : memref<2x1000x128xf32, #tpu.memory_space<vmem>>, vector<1x1000x128xf32>
    %get3A_16 = vector.shape_cast %get3A_15 : vector<1x1000x128xf32> to vector<1000x128xf32>
    %get3A_17 = arith.constant 1 : index
    %get3A_18 = arith.constant 0 : index
    %get3A_19 = arith.constant 0 : index
    %get3A_20 = vector.load %arg2[%get3A_17, %get3A_18, %get3A_19] : memref<2x1000x128xf32, #tpu.memory_space<vmem>>, vector<1x1000x128xf32>
    %get3A_21 = vector.shape_cast %get3A_20 : vector<1x1000x128xf32> to vector<1000x128xf32>
    %add3A_22 = arith.addf %get3A_16, %get3A_21 : vector<1000x128xf32>
    %get3A_23 = arith.constant 0 : index
    %get3A_24 = arith.constant 0 : index
    %get3A_25 = vector.load %arg3[%get3A_23, %get3A_24] : memref<1000x128xf32, #tpu.memory_space<vmem>>, vector<1000x128xf32>
    %add3A_26 = arith.addf %add3A_22, %get3A_25 : vector<1000x128xf32>
    %mul3A = vector.broadcast %rsqrt3A : vector<1000x1xf32> to vector<1000x128xf32>
    %mul3A_27 = arith.mulf %mul3A, %add3A_26 : vector<1000x128xf32>
    %max3A = arith.constant 0.000000e+00 : f32
    %max3A_28 = vector.broadcast %max3A : f32 to vector<1000x128xf32>
    %max3A_29 = arith.maximumf %mul3A_27, %max3A_28 : vector<1000x128xf32>
    %get3A_30 = arith.constant 0 : index
    %get3A_31 = arith.constant 0 : index
    %get3A_32 = vector.load %arg4[%get3A_30, %get3A_31] : memref<128x64xf32, #tpu.memory_space<vmem>>, vector<128x64xf32>
    %dot_general3A = arith.constant dense<0.000000e+00> : vector<1000x64xf32>
    %dot_general3A_33 = tpu.matmul %max3A_29, %get3A_32, %dot_general3A {dimension_numbers = #tpu.dot_dimension_numbers<[1], [0], [0], [1], [0, 0, 1, 1], [], []>, transpose_lhs_hint = false} : vector<1000x128xf32>, vector<128x64xf32>, vector<1000x64xf32> -> vector<1000x64xf32>
    %mul3A_34 = vector.broadcast %rsqrt3A : vector<1000x1xf32> to vector<1000x64xf32>
    %mul3A_35 = arith.mulf %mul3A_34, %dot_general3A_33 : vector<1000x64xf32>
    %swap3A = arith.constant 0 : index
    %swap3A_36 = arith.constant 0 : index
    %swap3A_37 = vector.load %arg5[%swap3A, %swap3A_36] : memref<1000x64xf32, #tpu.memory_space<vmem>>, vector<1000x64xf32>
    tpu.vector_store %arg5[%swap3A, %swap3A_36], %mul3A_35 {strides = array<i32>} : memref<1000x64xf32, #tpu.memory_space<vmem>>, vector<1000x64xf32>,
    return
  }
  func.func @transform_0(%arg0: i32) -> (i32, i32, i32) {
    %c0_i32 = arith.constant 0 : i32
    %c0_i32_0 = arith.constant 0 : i32
    %c0_i32_1 = arith.constant 0 : i32
    return %c0_i32, %arg0, %c0_i32_0 : i32, i32, i32
  }
  func.func @transform_1(%arg0: i32) -> (i32, i32, i32) {
    %c0_i32 = arith.constant 0 : i32
    %c0_i32_0 = arith.constant 0 : i32
    %c0_i32_1 = arith.constant 0 : i32
    return %c0_i32, %arg0, %c0_i32_0 : i32, i32, i32
  }
  func.func @transform_2(%arg0: i32) -> (i32, i32) {
    %c0_i32 = arith.constant 0 : i32
    %c0_i32_0 = arith.constant 0 : i32
    return %arg0, %c0_i32 : i32, i32
  }
  func.func @transform_3(%arg0: i32) -> (i32, i32) {
    %c0_i32 = arith.constant 0 : i32
    %c0_i32_0 = arith.constant 0 : i32
    %c0_i32_1 = arith.constant 0 : i32
    return %c0_i32, %c0_i32_0 : i32, i32
  }
  func.func @transform_4(%arg0: i32) -> (i32, i32) {
    %c0_i32 = arith.constant 0 : i32
    %c0_i32_0 = arith.constant 0 : i32
    return %arg0, %c0_i32 : i32, i32
  }
}

module attributes {stable_mosaic.version = 14 : i64} {
  func.func @_emb_body(%arg0: i32, %arg1: memref<2x1000x16xf32, #tpu.memory_space<vmem>>, %arg2: memref<2x1000x64xf32, #tpu.memory_space<vmem>>, %arg3: memref<1000x64xf32, #tpu.memory_space<vmem>>, %arg4: memref<1000x64xf32, #tpu.memory_space<vmem>>) attributes {dimension_semantics = [#tpu.dimension_semantics<arbitrary>], iteration_bounds = array<i64: 10>, scalar_prefetch = 0 : i64, scratch_operands = 0 : i64, tpu.core_type = #tpu.core_type<tc>, window_params = [{transform_indices = @transform_0, window_bounds = array<i64: 2, 1000, 16>}, {transform_indices = @transform_1, window_bounds = array<i64: 2, 1000, 64>}, {transform_indices = @transform_2, window_bounds = array<i64: 1000, 64>}, {transform_indices = @transform_3, window_bounds = array<i64: 1000, 64>}]} {
    %get3A = arith.constant 0 : index
    %get3A_0 = arith.constant 0 : index
    %get3A_1 = arith.constant 0 : index
    %get3A_2 = vector.load %arg1[%get3A, %get3A_0, %get3A_1] : memref<2x1000x16xf32, #tpu.memory_space<vmem>>, vector<1x1000x1xf32>
    %get3A_3 = vector.shape_cast %get3A_2 : vector<1x1000x1xf32> to vector<1000x1xf32>
    %get3A_4 = arith.constant 1 : index
    %get3A_5 = arith.constant 0 : index
    %get3A_6 = arith.constant 0 : index
    %get3A_7 = vector.load %arg1[%get3A_4, %get3A_5, %get3A_6] : memref<2x1000x16xf32, #tpu.memory_space<vmem>>, vector<1x1000x1xf32>
    %get3A_8 = vector.shape_cast %get3A_7 : vector<1x1000x1xf32> to vector<1000x1xf32>
    %add3A = arith.addf %get3A_3, %get3A_8 : vector<1000x1xf32>
    %add3A_9 = arith.constant 1.000000e+00 : f32
    %add3A_10 = vector.broadcast %add3A_9 : f32 to vector<1000x1xf32>
    %add3A_11 = arith.addf %add3A, %add3A_10 : vector<1000x1xf32>
    %rsqrt3A = math.rsqrt %add3A_11 : vector<1000x1xf32>
    %get3A_12 = arith.constant 0 : index
    %get3A_13 = arith.constant 0 : index
    %get3A_14 = arith.constant 0 : index
    %get3A_15 = vector.load %arg2[%get3A_12, %get3A_13, %get3A_14] : memref<2x1000x64xf32, #tpu.memory_space<vmem>>, vector<1x1000x64xf32>
    %get3A_16 = vector.shape_cast %get3A_15 : vector<1x1000x64xf32> to vector<1000x64xf32>
    %get3A_17 = arith.constant 1 : index
    %get3A_18 = arith.constant 0 : index
    %get3A_19 = arith.constant 0 : index
    %get3A_20 = vector.load %arg2[%get3A_17, %get3A_18, %get3A_19] : memref<2x1000x64xf32, #tpu.memory_space<vmem>>, vector<1x1000x64xf32>
    %get3A_21 = vector.shape_cast %get3A_20 : vector<1x1000x64xf32> to vector<1000x64xf32>
    %add3A_22 = arith.addf %get3A_16, %get3A_21 : vector<1000x64xf32>
    %get3A_23 = arith.constant 0 : index
    %get3A_24 = arith.constant 0 : index
    %get3A_25 = vector.load %arg3[%get3A_23, %get3A_24] : memref<1000x64xf32, #tpu.memory_space<vmem>>, vector<1000x64xf32>
    %add3A_26 = arith.addf %add3A_22, %get3A_25 : vector<1000x64xf32>
    %mul3A = vector.broadcast %rsqrt3A : vector<1000x1xf32> to vector<1000x64xf32>
    %mul3A_27 = arith.mulf %mul3A, %add3A_26 : vector<1000x64xf32>
    %swap3A = arith.constant 0 : index
    %swap3A_28 = arith.constant 0 : index
    %swap3A_29 = vector.load %arg4[%swap3A, %swap3A_28] : memref<1000x64xf32, #tpu.memory_space<vmem>>, vector<1000x64xf32>
    tpu.vector_store %arg4[%swap3A, %swap3A_28], %mul3A_27 {strides = array<i32>} : memref<1000x64xf32, #tpu.memory_space<vmem>>, vector<1000x64xf32>,
    return
  }
  func.func @transform_0(%arg0: i32) -> (i32, i32, i32) {
    %c0_i32 = arith.constant 0 : i32
    %c0_i32_0 = arith.constant 0 : i32
    %c0_i32_1 = arith.constant 0 : i32
    return %c0_i32, %arg0, %c0_i32_0 : i32, i32, i32
  }
  func.func @transform_1(%arg0: i32) -> (i32, i32, i32) {
    %c0_i32 = arith.constant 0 : i32
    %c0_i32_0 = arith.constant 0 : i32
    %c0_i32_1 = arith.constant 0 : i32
    return %c0_i32, %arg0, %c0_i32_0 : i32, i32, i32
  }
  func.func @transform_2(%arg0: i32) -> (i32, i32) {
    %c0_i32 = arith.constant 0 : i32
    %c0_i32_0 = arith.constant 0 : i32
    return %arg0, %c0_i32 : i32, i32
  }
  func.func @transform_3(%arg0: i32) -> (i32, i32) {
    %c0_i32 = arith.constant 0 : i32
    %c0_i32_0 = arith.constant 0 : i32
    return %arg0, %c0_i32 : i32, i32
  }
}

module attributes {stable_mosaic.version = 14 : i64} {
  func.func @_dec_body(%arg0: i32, %arg1: memref<400x64xf32, #tpu.memory_space<vmem>>, %arg2: memref<64x10000xf32, #tpu.memory_space<vmem>>, %arg3: memref<400x10000xf32, #tpu.memory_space<vmem>>) attributes {dimension_semantics = [#tpu.dimension_semantics<arbitrary>], iteration_bounds = array<i64: 25>, scalar_prefetch = 0 : i64, scratch_operands = 0 : i64, tpu.core_type = #tpu.core_type<tc>, window_params = [{transform_indices = @transform_0, window_bounds = array<i64: 400, 64>}, {pipeline_mode = #tpu.pipeline_mode<synchronous>, transform_indices = @transform_1, window_bounds = array<i64: 64, 10000>}, {transform_indices = @transform_2, window_bounds = array<i64: 400, 10000>}]} {
    %get3A = arith.constant 0 : index
    %get3A_0 = arith.constant 0 : index
    %get3A_1 = vector.load %arg1[%get3A, %get3A_0] : memref<400x64xf32, #tpu.memory_space<vmem>>, vector<400x64xf32>
    %get3A_2 = arith.constant 0 : index
    %get3A_3 = arith.constant 0 : index
    %get3A_4 = vector.load %arg2[%get3A_2, %get3A_3] : memref<64x10000xf32, #tpu.memory_space<vmem>>, vector<64x10000xf32>
    %dot_general3A = arith.constant dense<0.000000e+00> : vector<400x10000xf32>
    %dot_general3A_5 = tpu.matmul %get3A_1, %get3A_4, %dot_general3A {dimension_numbers = #tpu.dot_dimension_numbers<[1], [0], [0], [1], [0, 0, 1, 1], [], []>, transpose_lhs_hint = false} : vector<400x64xf32>, vector<64x10000xf32>, vector<400x10000xf32> -> vector<400x10000xf32>
    %swap3A = arith.constant 0 : index
    %swap3A_6 = arith.constant 0 : index
    %swap3A_7 = vector.load %arg3[%swap3A, %swap3A_6] : memref<400x10000xf32, #tpu.memory_space<vmem>>, vector<400x10000xf32>
    tpu.vector_store %arg3[%swap3A, %swap3A_6], %dot_general3A_5 {strides = array<i32>} : memref<400x10000xf32, #tpu.memory_space<vmem>>, vector<400x10000xf32>,
    return
  }
  func.func @transform_0(%arg0: i32) -> (i32, i32) {
    %c0_i32 = arith.constant 0 : i32
    %c0_i32_0 = arith.constant 0 : i32
    return %arg0, %c0_i32 : i32, i32
  }
  func.func @transform_1(%arg0: i32) -> (i32, i32) {
    %c0_i32 = arith.constant 0 : i32
    %c0_i32_0 = arith.constant 0 : i32
    %c0_i32_1 = arith.constant 0 : i32
    return %c0_i32, %c0_i32_0 : i32, i32
  }
  func.func @transform_2(%arg0: i32) -> (i32, i32) {
    %c0_i32 = arith.constant 0 : i32
    %c0_i32_0 = arith.constant 0 : i32
    return %arg0, %c0_i32 : i32, i32
  }
}

</mosaic_0001>

<sc_bundles>
// kernel: kernel.12.cloned.1.call-start
scs
__scs_entry_jumppad:
0x0: {  	(pc) =	sbr.rel $0x88, $3  }
0x1: {  	(tag) =	ssettag $0x0;
	lr =	simm.s32 $0x1  }
0x2: {  	[smem:$0x3F9D] =	sst lr;
	_ =	strace $0xD0000000  }
0x3: {  	_ = 	snop  }
0x4: {  	_ = 	snop  }
0x5: {  	_ = 	snop  }
0x6: {  	_ = 	snop  }
0x7: {  	_ = 	snop  }
__scs_overlays_trampoline_lowered:
0x8: {  	[smem:$0x3FAC] =	sst s0  }
0x9: {  	[smem:$0x3FAD] =	sst s1  }
0xa: {  	[smem:$0x3FAE] =	sst s2  }
0xb: {  	[smem:$0x3FAF] =	sst s3  }
0xc: {  	[smem:$0x3FB0] =	sst s4  }
0xd: {  	[smem:$0x3FB1] =	sst s5  }
0xe: {  	[smem:$0x3FB2] =	sst s6  }
0xf: {  	[smem:$0x3FB3] =	sst s7  }
0x10: {  	[smem:$0x3FB4] =	sst s8  }
0x11: {  	[smem:$0x3FB5] =	sst s9;
	s0 =	simm.s32 @!p0 $0x0  }
0x12: {  	s1 =	sld [smem:$0x3F9B];
	s0 =	simm.s32 @p0 $0x1  }
0x13: {  	[smem:$0x3FB6] =	sst s0;
	s0 =	simm.s32 @!p1 $0x0  }
0x14: {  	s2 =	sld [smem:$0x3F9A];
	s0 =	simm.s32 @p1 $0x1  }
0x15: {  	[smem:$0x3FB7] =	sst s0;
	s0 =	simm.s32 @!p2 $0x0  }
0x16: {  	s3 =	sld [smem:$0x3FDB];
	s0 =	simm.s32 @p2 $0x1  }
0x17: {  	s4 =	simm.s32 $0x1BF5;
	[smem:$0x3FB9] =	sst s0  }
0x18: {  	s0 =	sld [smem:$0x3F9C];
	_ =	swait.ge [sflag:s4], $0x0  }
0x19: {  	s7 =	sld [smem:$0x3F9D]  }
0x1a: {  	s8 =	sadd.s32 $0xFFFFE003, lr  }
0x1b: {  	s9 =	sadd.s32 $0xFFFFFEF7, lr;
	s5 =	simm.s32 $0xFFFFFFFF;
	p2 =	slt.u32 s8, $0xFFFFF086  }
0x1c: {  	p1 =	slt.u32 s9, $0xF7A;
	s5 =	simm.s32 @!p2 $0x0  }
0x1d: {  	s5 =	simm.s32 @p1 $0x1;
	p0 =	seq.s32 s7, s2  }
0x1e: {  	s7 =	smul.u32 @!p0 $0xF7A, s2;
	p2 =	seq.s32 @!p0 s5, $0x0  }
0x1f: {  	s9 =	smul.u32 $0xF7A, s1;
	s8 =	simm.s32 @!p0 $0x1BF5;
	p2 =	por !p2, p0  }
0x20: {  	[sflag:s8] =	ssyncset.s32 @!p0 $0xFFFFF086;
	s6 =	sadd.s32 @!p0 s3, s7;
	s7 =	simm.s32 @!p0 $0x108  }
0x21: {  	s3 =	sadd.s32 s3, s9;
	s6 =	sadd.s32 @!p0 $0x88, s6;
	s7 =	simm.s32 @p2 $0x1082  }
0x22: {  	[simem:s7], [sflag:s8] =	dma.local @!p0 [hbm:s6], $0xF7A  }
0x23: {  	s9 =	sor.u32 $0xD0000000, s2;
	s6 =	simm.s32 $0x108;
	_ =	swait.ge @!p0 [sflag:s8], $0x0  }
0x24: {  	s3 =	sadd.s32 $0x88, s3;
	s6 =	simm.s32 @!p1 $0x1082;
	[sflag:s4] =	ssyncset.s32 $0xFFFFF086  }
0x25: {  	[simem:s6], [sflag:s4] =	dma.local [hbm:s3], $0xF7A  }
0x26: {  	[smem:$0x3F9D] =	sst s1;
	(tag) =	ssettag s2;
	_ =	strace s9  }
0x27: {  	s1 =	sld [smem:$0x3FAD]  }
0x28: {  	s2 =	sld [smem:$0x3FAE]  }
0x29: {  	s4 =	sld [smem:$0x3FB0]  }
0x2a: {  	p0 =	seq.s32 s5, $0x0;
	s5 =	sld [smem:$0x3FB1]  }
0x2b: {  	s6 =	sld [smem:$0x3FB2]  }
0x2c: {  	s7 =	sld [smem:$0x3FB3]  }
0x2d: {  	s3 =	simm.s32 $0x108;
	s8 =	sld [smem:$0x3FB4]  }
0x2e: {  	s3 =	simm.s32 @!p0 $0x1082;
	s9 =	sld [smem:$0x3FB5]  }
0x2f: {  	lr =	sadd.s32 s0, s3;
	s0 =	sld [smem:$0x3FAC]  }
0x30: {  	s3 =	sld [smem:$0x3FAF]  }
0x31: {  	[smem:$0x3FB8] =	sst s10  }
0x32: {  	s10 =	sld [smem:$0x3FB6];
	_ =	sdelay $0x3  }
0x33: {  	p0 =	seq.s32 s10, $0x1;
	s10 =	sld [smem:$0x3FB8];
	_ =	sdelay $0x3  }
0x34: {  	[smem:$0x3FB8] =	sst s10  }
0x35: {  	s10 =	sld [smem:$0x3FB7];
	_ =	sdelay $0x3  }
0x36: {  	p1 =	seq.s32 s10, $0x1;
	s10 =	sld [smem:$0x3FB8];
	_ =	sdelay $0x3  }
0x37: {  	[smem:$0x3FB8] =	sst s10  }
0x38: {  	s10 =	sld [smem:$0x3FB9]  }
0x39: {  	_ = 	snop;
	(pc) =	sbr.ind lr, $3  }
0x3a: {  	_ = 	snop  }
0x3b: {  	_ = 	snop  }
0x3c: {  	p2 =	seq.s32 s10, $0x1;
	s10 =	sld [smem:$0x3FB8]  }
0x3d: {  	_ =	shalt  }
0x3e: {  	_ =	shalt  }
0x3f: {  	_ =	shalt  }
0x40: {  	_ =	shalt  }
0x41: {  	_ =	shalt  }
0x42: {  	_ =	shalt  }
0x43: {  	_ =	shalt  }
0x44: {  	_ =	shalt  }
0x45: {  	_ =	shalt  }
0x46: {  	_ =	shalt  }
0x47: {  	_ =	shalt  }
0x48: {  	_ =	shalt  }
0x49: {  	_ =	shalt  }
0x4a: {  	_ =	shalt  }
0x4b: {  	_ =	shalt  }
0x4c: {  	_ =	shalt  }
0x4d: {  	_ =	shalt  }
0x4e: {  	_ =	shalt  }
0x4f: {  	_ =	shalt  }
0x50: {  	_ =	shalt  }
0x51: {  	_ =	shalt  }
0x52: {  	_ =	shalt  }
0x53: {  	_ =	shalt  }
0x54: {  	_ =	shalt  }
0x55: {  	_ =	shalt  }
0x56: {  	_ =	shalt  }
0x57: {  	_ =	shalt  }
0x58: {  	_ =	shalt  }
0x59: {  	_ =	shalt  }
0x5a: {  	_ =	shalt  }
0x5b: {  	_ =	shalt  }
0x5c: {  	_ =	shalt  }
0x5d: {  	_ =	shalt  }
0x5e: {  	_ =	shalt  }
0x5f: {  	_ =	shalt  }
0x60: {  	_ =	shalt  }
0x61: {  	_ =	shalt  }
0x62: {  	_ =	shalt  }
0x63: {  	_ =	shalt  }
0x64: {  	_ =	shalt  }
0x65: {  	_ =	shalt  }
0x66: {  	_ =	shalt  }
0x67: {  	_ =	shalt  }
0x68: {  	_ =	shalt  }
0x69: {  	_ =	shalt  }
0x6a: {  	_ =	shalt  }
0x6b: {  	_ =	shalt  }
0x6c: {  	_ =	shalt  }
0x6d: {  	_ =	shalt  }
0x6e: {  	_ =	shalt  }
0x6f: {  	_ =	shalt  }
0x70: {  	_ =	shalt  }
0x71: {  	_ =	shalt  }
0x72: {  	_ =	shalt  }
0x73: {  	_ =	shalt  }
0x74: {  	_ =	shalt  }
0x75: {  	_ =	shalt  }
0x76: {  	_ =	shalt  }
0x77: {  	_ =	shalt  }
0x78: {  	_ =	shalt  }
0x79: {  	_ =	shalt  }
0x7a: {  	_ =	shalt  }
0x7b: {  	_ =	shalt  }
0x7c: {  	_ =	shalt  }
0x7d: {  	_ =	shalt  }
0x7e: {  	_ =	shalt  }
0x7f: {  	_ =	shalt  }
0x80: {  	_ =	shalt  }
0x81: {  	_ =	shalt  }
0x82: {  	_ =	shalt  }
0x83: {  	_ =	shalt  }
0x84: {  	_ =	shalt  }
0x85: {  	_ =	shalt  }
0x86: {  	_ =	shalt  }
0x87: {  	_ =	shalt  }
.Lfunc_end0:
.L_simem_size_0:
called_computation.1_lowered:
.L_overlay_start_0:
0x88: {  	s2 =	sld [smem:$0x3FD9]  }
0x89: {  	s3 =	sld [smem:$0x3FFE];
	_ =	sdelay $0x1  }
0x8a: {  	s1 =	srdreg.scid  }
0x8b: {  	s0 =	sand.u32 $0x1, s1  }
0x8c: {  	s14 =	sshll.u32 s0, $0xA;
	s2 =	sadd.s32 s3, s2  }
0x8d: {  	s2 =	sadd.s32 s2, s14  }
0x8e: {  	[smem:$0x3FC4] =	sst s2  }
0x8f: {  	_ = 	snop  }
0x90: {  	s2 =	sld [smem:$0x3FD0];
	_ =	sdelay $0x2  }
0x91: {  	s15 =	simm.s32 $0xA;
	s4 =	simm.s32 $0x10  }
0x92: {  	[smem:s4], [sflag:s15] =	dma.local [hbm:s2], $0x1  }
0x93: {  	_ =	swait.eq [sflag:s15], $0x1  }
0x94: {  	[sflag:s15] =	ssyncset.done $0x0  }
0x95: {  	[sflag:s15] =	ssyncadd.s32 $0xFFFFFFFF  }
0x96: {  	s16 =	sld [smem:$0x10];
	(tm) =	ssettm $0x1  }
0x97: {  	s17 =	sld [smem:$0x3FFB];
	_ =	sdelay $0x3  }
0x98: {  	_ =	strace s17  }
0x99: {  	s3 =	sld [smem:$0x3FFC];
	_ =	sdelay $0x3  }
0x9a: {  	_ =	strace s3  }
0x9b: {  	s3 =	sld [smem:$0x3FFD];
	_ =	sdelay $0x3  }
0x9c: {  	_ =	strace s3  }
0x9d: {  	_ =	strace $0x8FFFFFFF  }
0x9e: {  	s18 =	sld [smem:$0x3FDB];
	_ =	sdelay $0x1  }
0x9f: {  	s19 =	simm.s32 $_scs_section_size  }
0xa0: {  	s5 =	simm.s32 $_size__tile_overlayer_lowered;
	s6 =	simm.s32 $_tile_overlayer_lowered  }
0xa1: {  	s22 =	simm.s32 $0x1BFF;
	s21 =	sshll.u32 s6, $0x1;
	s3 =	sadd.s32 s19, s18  }
0xa2: {  	s7 =	simm.s32 $0x0;
	s20 =	sshll.u32 s5, $0x1;
	s5 =	sadd.s32 s21, s3  }
0xa3: {  	[timem:s7], [sflag:s22] =	dma.local [hbm:s5], s20  }
0xa4: {  	_ =	swait.ge [sflag:s22], s20  }
0xa5: {  	s4 =	ssub.s32 $0x0, s20;
	[sflag:s22] =	ssyncset.done $0x0  }
0xa6: {  	[sflag:s22] =	ssyncadd.s32 s4;
	_ =	sdelay $0x1  }
0xa7: {  	s23 =	simm.s32 $0x1B8B  }
0xa8: {  	_ =	swait.ge [sflag:s23], $0x1  }
0xa9: {  	[sflag:s23] =	ssyncset.done $0x0  }
0xaa: {  	s25 =	simm.s32 $0x1B8E;
	s24 =	sld [smem:$0x3FFE];
	[sflag:s23] =	ssyncadd.s32 $0xFFFFFFFF  }
0xab: {  	s26 =	simm.s32 $execute0_lowered;
	[smem:$0x3FD2] =	sst s25  }
0xac: {  	s5 =	sshll.u32 s26, $0x1;
	_ =	strace $0x80000049;
	[dreg:$0x1] =	wrdreg $0xFFFFFFFF  }
0xad: {  	s28 =	simm.s32 $_size_execute0_lowered;
	s3 =	sadd.s32 s3, s5;
	[dreg:$0x0] =	wrdreg $0x0  }
0xae: {  	s5 =	sshll.u32 s28, $0x1;
	[dreg:$0x2] =	wrdreg s3  }
0xaf: {  	[dreg:$0x3] =	wrdreg s5  }
0xb0: {  	[dreg:$0x4] =	wrdreg $0xC0  }
0xb1: {  	_ =	task [dreg:s7], $0x5FFFF  }
0xb2: {  	[dreg:$0x1] =	wrdreg $0xFFFFFFFF  }
0xb3: {  	[dreg:$0x0] =	wrdreg $0x60  }
0xb4: {  	[dreg:$0x2] =	wrdreg s24  }
0xb5: {  	[dreg:$0x3] =	wrdreg s16  }
0xb6: {  	[dreg:$0x4] =	wrdreg $0x76200  }
0xb7: {  	[dreg:$0x5] =	wrdreg $0x9  }
0xb8: {  	_ =	task.clear_ibuf [dreg:s7], $0x6FFFF;
	_ =	strace $0x90000049  }
0xb9: {  	s29 =	simm.s32 $0x9;
	_ =	strace $0x8000004B  }
0xba: {  	_ =	swait.ge [sflag:s29], $0x1  }
0xbb: {  	[sflag:s29] =	ssyncadd.s32 $0xFFFFFFFF  }
0xbc: {  	_ =	strace $0x9000004B  }
0xbd: {  	_ =	sfence  }
0xbe: {  	s30 =	sld [smem:$0x0];
	_ =	sdelay $0x2  }
0xbf: {  	s31 =	sshll.u32 s1, $0xD;
	s1 =	sshrl.u32 s1, $0x2  }
0xc0: {  	s3 =	sand.u32 $0x4000, s31;
	s1 =	sadd.s32 s1, s30  }
0xc1: {  	s0 =	sor.u32 s3, s0;
	s1 =	sshll.u32 s1, $0x11  }
0xc2: {  	s0 =	sor.u32 s1, s0  }
0xc3: {  	s0 =	sadd.s32 $0x8F2B, s0  }
0xc4: {  	[sflag:s0] =	ssyncadd.remote.s32 $0x1  }
0xc5: {  	_ =	sfence.sel $0xFFFF  }
0xc6: {  	[dreg:$0x0] =	wrdreg $0xFFFFFFFF;
	(pc) =	sbr.abs _section_cstart, $3  }
0xc7: {  	[dreg:$0x1] =	wrdreg $0xFFFFFFFF  }
0xc8: {  	_ =	task.clear_ibuf [dreg:s7], $0x2FFFF;
	_ =	strace $0x9FFFFFFF  }
0xc9: {  	(tm) =	ssettm $0x7FFFFFFF  }
tec
execute0_lowered:
.L_overlay_start_1:
0x0: {  	(tag) =	ssettag $0x1  }
0x1: {  	s5 =	rddreg [dreg:$0x0]  }
0x2: {  	s8 =	rddreg [dreg:$0x1]  }
0x3: {  	s2 =	rddreg [dreg:$0x2]  }
0x4: {  	s0 =	rddreg [dreg:$0x3]  }
0x5: {  	s4 =	srdreg.scid;
	s1 =	stileid.u32  }
0x6: {  	s3 =	simm.s32 $0x0;
	s14 =	simm.s32 $0x50;
	s15 =	simm.s32 $0x4E20  }
0x7: {  	s16 =	simm.s32 $0x1;
	s17 =	simm.s32 $0x0;
	s6 =	sand.u32 $0x1, s4  }
0x8: {  	s28 =	sshll.u32 s1, $0x1;
	[smem:$0x7FF] =	sst s3;
	s9 =	smul.u32 $0x14000, s1  }
0x9: {  	s4 =	sadd.s32 $0x15800, s5;
	s31 =	sshll.u32 s1, $0x6;
	s7 =	sor.u32 s6, s28  }
0xa: {  	_ =	strace $0x8000004A;
	s11 =	ssub.s32 $0x2, s6;
	s6 =	smul.u32 $0x140000, s6  }
0xb: {  	s7 =	smul.u32 $0x4E2, s7;
	s10 =	sshrl.u32 s9, $0x3;
	s29 =	sshrl.u32 s11, $0x1  }
0xc: {  	s13 =	sadd.s32 s9, s2;
	s10 =	sadd.s32 s10, s5;
	s11 =	ssub.s32 s11, s29  }
0xd: {  	s12 =	sadd.s32 s9, s6;
	s13 =	sshrl.u32 s13, $0x3;
	s7 =	sadd.s32 s7, s5  }
0xe: {  	s30 =	sshrl.u32 s12, $0x3;
	s9 =	smax.u32 s11, $0x1;
	s11 =	simm.s32 $0x2710  }
0xf: {  	s12 =	sor.u32 $0x1C02, s31;
	s5 =	sadd.s32 $0x1C00, s7;
	s6 =	sadd.s32 $0xBA00, s7  }
0x10: {  	s7 =	sadd.s32 $0x3CA00, s10;
	s8 =	sadd.s32 s8, s30;
	s10 =	simm.s32 $0x2  }
.LBB2_1:
0x11: {  	[tilespmem:s3], [sflag:$0x2] =	stream.linear.gather [hbm4b:s5+s3], $0x2710, $0x38;
	[tilespmem:$0x1B620] =	vst v63  }
0x12: {  	_ =	swait.ge [sflag:s10], $0x2710  }
0x13: {  	[sflag:s10] =	ssyncset.done $0x0  }
0x14: {  	[sflag:s10] =	ssyncadd.s32 $0xFFFFD8F0  }
0x15: {  	[tilespmem:s11], [sflag:$0x2] =	stream.linear.gather [hbm4b:s6+s3], $0x2710, $0x38;
	[tilespmem:$0x1B620] =	vst v63  }
0x16: {  	_ =	swait.ge [sflag:s10], $0x2710  }
0x17: {  	[sflag:s10] =	ssyncset.done $0x0  }
0x18: {  	[sflag:s10] =	ssyncadd.s32 $0xFFFFD8F0  }
0x19: {  	[spmem:s13], [sflag:s12] =	dma.local [hbm:s7], $0x2800  }
0x1a: {  	_ =	swait.ge [sflag:s10], $0x2800  }
0x1b: {  	[sflag:s10] =	ssyncset.done $0x0  }
0x1c: {  	[sflag:s10] =	ssyncadd.s32 $0xFFFFD800  }
0x1d: {  	s18 =	simm.s32 $0x0;
	[bflag:$0x0] =	sbarrier.arrive $0xFFFF  }
0x1e: {  	[tilespmem:s15], [sflag:$0x1] =	stream.indirect.gather [hbm4b:s4+s14], $0x80, s18, s14, $0xb8;
	[tilespmem:$0x1B620] =	vst v63  }
0x1f: {  	_ =	swait.ge [sflag:s16], $0x2800  }
0x20: {  	[sflag:s16] =	ssyncset.done $0x0  }
0x21: {  	s31 =	simm.s32 $0x2710;
	[sflag:s16] =	ssyncadd.s32 $0xFFFFD800  }
0x22: {  	[spmem:s2] =	stream.indirect.scatter.add.f32 [tilespmem:s15], [sflag:$0x2], $0x80, s31, s14, $0xb8;
	[tilespmem:$0x1B620] =	vst v63  }
0x23: {  	_ =	swait.ge [sflag:s10], $0x2800  }
0x24: {  	s19 =	simm.s32 $0x280;
	s18 =	simm.s32 $0x140;
	[sflag:s10] =	ssyncset.done $0x0  }
.LBB2_2:
0x25: {  	s20 =	sshra.s32 s18, $0x2  }
0x26: {  	[sflag:s10] =	ssyncadd.s32 $0xFFFFD800;
	s18 =	smov.u32 s19;
	s21 =	sadd.s32 $0x140, s19  }
0x27: {  	[tilespmem:s15], [sflag:$0x1] =	stream.indirect.gather [hbm4b:s4+s14], $0x80, s20, s14, $0xb8;
	[tilespmem:$0x1B620] =	vst v63  }
0x28: {  	p0 =	sne.s32 s19, $0x9B00;
	_ =	swait.ge [sflag:s16], $0x2800  }
.Ltmp0:
0x29: {  	[sflag:s16] =	ssyncset.done $0x0;
	(pc) =	sbr.rel @p0 .LBB2_2-.Ltmp0, $4  }
0x2a: {  	s19 =	sadd.s32 $0x2710, s20;
	[sflag:s16] =	ssyncadd.s32 $0xFFFFD800  }
0x2b: {  	[spmem:s2] =	stream.indirect.scatter.add.f32 [tilespmem:s15], [sflag:$0x2], $0x80, s19, s14, $0xb8;
	[tilespmem:$0x1B620] =	vst v63  }
0x2c: {  	_ =	swait.ge [sflag:s10], $0x2800  }
0x2d: {  	s19 =	smov.u32 s21;
	[sflag:s10] =	ssyncset.done $0x0  }
0x2e: {  	s18 =	sshra.s32 s18, $0x2;
	[sflag:s10] =	ssyncadd.s32 $0xFFFFD800  }
0x2f: {  	[tilespmem:s15], [sflag:$0x1] =	stream.indirect.gather [hbm4b:s4+s14], $0x80, s18, s14, $0xb8;
	[tilespmem:$0x1B620] =	vst v63  }
0x30: {  	_ =	swait.ge [sflag:s16], $0x2800  }
0x31: {  	[sflag:s16] =	ssyncset.done $0x0  }
0x32: {  	s18 =	sadd.s32 $0x2710, s18;
	[sflag:s16] =	ssyncadd.s32 $0xFFFFD800  }
0x33: {  	[spmem:s2] =	stream.indirect.scatter.add.f32 [tilespmem:s15], [sflag:$0x2], $0x80, s18, s14, $0xb8;
	[tilespmem:$0x1B620] =	vst v63  }
0x34: {  	_ =	swait.ge [sflag:s10], $0x2800  }
0x35: {  	s17 =	sadd.s32 $0x1, s17;
	[sflag:s10] =	ssyncset.done $0x0  }
0x36: {  	p0 =	sne.s32 s17, s9;
	[sflag:s10] =	ssyncadd.s32 $0xFFFFD800  }
.Ltmp1:
0x37: {  	[bflag:$0x0] =	sbarrier.arrive $0xFFFF;
	(pc) =	sbr.rel @p0 .LBB2_1-.Ltmp1, $4  }
0x38: {  	[hbm:s8], [sflag:s12] =	dma.local [spmem:s13], $0x2800  }
0x39: {  	_ =	swait.ge [sflag:s10], $0x2800  }
0x3a: {  	[sflag:s10] =	ssyncset.done $0x0  }
0x3b: {  	[sflag:s10] =	ssyncadd.s32 $0xFFFFD800  }
0x3c: {  	_ =	sfence.sel $0x180000  }
0x3d: {  	[bflag:$0x0] =	sbarrier.arrive $0xFFFF  }
0x3e: {  	p0 =	sne.s32 s1, $0x0;
	_ =	strace $0x9000004A  }
0x3f: {  	s0 =	sadd.s32 @!p0 $0x100000, s0;
	[bflag:$0x2] =	sbarrier.arrive $0xFFFF  }
0x40: {  	[sflag:s0] =	ssyncadd.tile.s32 @!p0 $0x1;
	_ =	shalt  }
.Lfunc_end2:
_tile_overlayer_lowered:
.L_overlay_start_2:
0x41: {  	(tag) =	ssettag $0x2  }
0x42: {  	s0 =	rddreg [dreg:$0x0];
	s2 =	stileid.u32  }
0x43: {  	s1 =	rddreg [dreg:$0x1];
	p0 =	sne.s32 s2, $0x0  }
0x44: {  	s3 =	rddreg [dreg:$0x2];
	[bflag:$0x3] =	sbarrier.arrive $0xFFFF;
	s2 =	simm.s32 @!p0 $0x1C02  }
0x45: {  	[timem:s3], [sflag:s2] =	dma.local @!p0 [hbm:s0], s1  }
0x46: {  	s0 =	simm.s32 @!p0 $0x2  }
0x47: {  	_ =	swait.ge @!p0 [sflag:s0], s1  }
0x48: {  	s1 =	ssub.s32 @!p0 $0x0, s1;
	[sflag:s0] =	ssyncset.done @!p0 $0x0  }
0x49: {  	[sflag:s0] =	ssyncadd.s32 @!p0 s1  }
0x4a: {  	[bflag:$0x3] =	sbarrier.arrive $0xFFFF  }
0x4b: {  	_ =	shalt  }

// kernel: kernel.15.cloned.1.call-start
scs
__scs_entry_jumppad:
0x0: {  	(pc) =	sbr.rel $0x88, $3  }
0x1: {  	(tag) =	ssettag $0x0;
	lr =	simm.s32 $0x1  }
0x2: {  	[smem:$0x3F9D] =	sst lr;
	_ =	strace $0xD0000000  }
0x3: {  	_ = 	snop  }
0x4: {  	_ = 	snop  }
0x5: {  	_ = 	snop  }
0x6: {  	_ = 	snop  }
0x7: {  	_ = 	snop  }
__scs_overlays_trampoline_lowered:
0x8: {  	[smem:$0x3FAC] =	sst s0  }
0x9: {  	[smem:$0x3FAD] =	sst s1  }
0xa: {  	[smem:$0x3FAE] =	sst s2  }
0xb: {  	[smem:$0x3FAF] =	sst s3  }
0xc: {  	[smem:$0x3FB0] =	sst s4  }
0xd: {  	[smem:$0x3FB1] =	sst s5  }
0xe: {  	[smem:$0x3FB2] =	sst s6  }
0xf: {  	[smem:$0x3FB3] =	sst s7  }
0x10: {  	[smem:$0x3FB4] =	sst s8  }
0x11: {  	[smem:$0x3FB5] =	sst s9;
	s0 =	simm.s32 @!p0 $0x0  }
0x12: {  	s1 =	sld [smem:$0x3F9B];
	s0 =	simm.s32 @p0 $0x1  }
0x13: {  	[smem:$0x3FB6] =	sst s0;
	s0 =	simm.s32 @!p1 $0x0  }
0x14: {  	s2 =	sld [smem:$0x3F9A];
	s0 =	simm.s32 @p1 $0x1  }
0x15: {  	[smem:$0x3FB7] =	sst s0;
	s0 =	simm.s32 @!p2 $0x0  }
0x16: {  	s3 =	sld [smem:$0x3FDB];
	s0 =	simm.s32 @p2 $0x1  }
0x17: {  	s4 =	simm.s32 $0x1BF5;
	[smem:$0x3FB9] =	sst s0  }
0x18: {  	s0 =	sld [smem:$0x3F9C];
	_ =	swait.ge [sflag:s4], $0x0  }
0x19: {  	s7 =	sld [smem:$0x3F9D]  }
0x1a: {  	s8 =	sadd.s32 $0xFFFFE003, lr  }
0x1b: {  	s9 =	sadd.s32 $0xFFFFFEF7, lr;
	s5 =	simm.s32 $0xFFFFFFFF;
	p2 =	slt.u32 s8, $0xFFFFF086  }
0x1c: {  	p1 =	slt.u32 s9, $0xF7A;
	s5 =	simm.s32 @!p2 $0x0  }
0x1d: {  	s5 =	simm.s32 @p1 $0x1;
	p0 =	seq.s32 s7, s2  }
0x1e: {  	s7 =	smul.u32 @!p0 $0xF7A, s2;
	p2 =	seq.s32 @!p0 s5, $0x0  }
0x1f: {  	s9 =	smul.u32 $0xF7A, s1;
	s8 =	simm.s32 @!p0 $0x1BF5;
	p2 =	por !p2, p0  }
0x20: {  	[sflag:s8] =	ssyncset.s32 @!p0 $0xFFFFF086;
	s6 =	sadd.s32 @!p0 s3, s7;
	s7 =	simm.s32 @!p0 $0x108  }
0x21: {  	s3 =	sadd.s32 s3, s9;
	s6 =	sadd.s32 @!p0 $0x88, s6;
	s7 =	simm.s32 @p2 $0x1082  }
0x22: {  	[simem:s7], [sflag:s8] =	dma.local @!p0 [hbm:s6], $0xF7A  }
0x23: {  	s9 =	sor.u32 $0xD0000000, s2;
	s6 =	simm.s32 $0x108;
	_ =	swait.ge @!p0 [sflag:s8], $0x0  }
0x24: {  	s3 =	sadd.s32 $0x88, s3;
	s6 =	simm.s32 @!p1 $0x1082;
	[sflag:s4] =	ssyncset.s32 $0xFFFFF086  }
0x25: {  	[simem:s6], [sflag:s4] =	dma.local [hbm:s3], $0xF7A  }
0x26: {  	[smem:$0x3F9D] =	sst s1;
	(tag) =	ssettag s2;
	_ =	strace s9  }
0x27: {  	s1 =	sld [smem:$0x3FAD]  }
0x28: {  	s2 =	sld [smem:$0x3FAE]  }
0x29: {  	s4 =	sld [smem:$0x3FB0]  }
0x2a: {  	p0 =	seq.s32 s5, $0x0;
	s5 =	sld [smem:$0x3FB1]  }
0x2b: {  	s6 =	sld [smem:$0x3FB2]  }
0x2c: {  	s7 =	sld [smem:$0x3FB3]  }
0x2d: {  	s3 =	simm.s32 $0x108;
	s8 =	sld [smem:$0x3FB4]  }
0x2e: {  	s3 =	simm.s32 @!p0 $0x1082;
	s9 =	sld [smem:$0x3FB5]  }
0x2f: {  	lr =	sadd.s32 s0, s3;
	s0 =	sld [smem:$0x3FAC]  }
0x30: {  	s3 =	sld [smem:$0x3FAF]  }
0x31: {  	[smem:$0x3FB8] =	sst s10  }
0x32: {  	s10 =	sld [smem:$0x3FB6];
	_ =	sdelay $0x3  }
0x33: {  	p0 =	seq.s32 s10, $0x1;
	s10 =	sld [smem:$0x3FB8];
	_ =	sdelay $0x3  }
0x34: {  	[smem:$0x3FB8] =	sst s10  }
0x35: {  	s10 =	sld [smem:$0x3FB7];
	_ =	sdelay $0x3  }
0x36: {  	p1 =	seq.s32 s10, $0x1;
	s10 =	sld [smem:$0x3FB8];
	_ =	sdelay $0x3  }
0x37: {  	[smem:$0x3FB8] =	sst s10  }
0x38: {  	s10 =	sld [smem:$0x3FB9]  }
0x39: {  	_ = 	snop;
	(pc) =	sbr.ind lr, $3  }
0x3a: {  	_ = 	snop  }
0x3b: {  	_ = 	snop  }
0x3c: {  	p2 =	seq.s32 s10, $0x1;
	s10 =	sld [smem:$0x3FB8]  }
0x3d: {  	_ =	shalt  }
0x3e: {  	_ =	shalt  }
0x3f: {  	_ =	shalt  }
0x40: {  	_ =	shalt  }
0x41: {  	_ =	shalt  }
0x42: {  	_ =	shalt  }
0x43: {  	_ =	shalt  }
0x44: {  	_ =	shalt  }
0x45: {  	_ =	shalt  }
0x46: {  	_ =	shalt  }
0x47: {  	_ =	shalt  }
0x48: {  	_ =	shalt  }
0x49: {  	_ =	shalt  }
0x4a: {  	_ =	shalt  }
0x4b: {  	_ =	shalt  }
0x4c: {  	_ =	shalt  }
0x4d: {  	_ =	shalt  }
0x4e: {  	_ =	shalt  }
0x4f: {  	_ =	shalt  }
0x50: {  	_ =	shalt  }
0x51: {  	_ =	shalt  }
0x52: {  	_ =	shalt  }
0x53: {  	_ =	shalt  }
0x54: {  	_ =	shalt  }
0x55: {  	_ =	shalt  }
0x56: {  	_ =	shalt  }
0x57: {  	_ =	shalt  }
0x58: {  	_ =	shalt  }
0x59: {  	_ =	shalt  }
0x5a: {  	_ =	shalt  }
0x5b: {  	_ =	shalt  }
0x5c: {  	_ =	shalt  }
0x5d: {  	_ =	shalt  }
0x5e: {  	_ =	shalt  }
0x5f: {  	_ =	shalt  }
0x60: {  	_ =	shalt  }
0x61: {  	_ =	shalt  }
0x62: {  	_ =	shalt  }
0x63: {  	_ =	shalt  }
0x64: {  	_ =	shalt  }
0x65: {  	_ =	shalt  }
0x66: {  	_ =	shalt  }
0x67: {  	_ =	shalt  }
0x68: {  	_ =	shalt  }
0x69: {  	_ =	shalt  }
0x6a: {  	_ =	shalt  }
0x6b: {  	_ =	shalt  }
0x6c: {  	_ =	shalt  }
0x6d: {  	_ =	shalt  }
0x6e: {  	_ =	shalt  }
0x6f: {  	_ =	shalt  }
0x70: {  	_ =	shalt  }
0x71: {  	_ =	shalt  }
0x72: {  	_ =	shalt  }
0x73: {  	_ =	shalt  }
0x74: {  	_ =	shalt  }
0x75: {  	_ =	shalt  }
0x76: {  	_ =	shalt  }
0x77: {  	_ =	shalt  }
0x78: {  	_ =	shalt  }
0x79: {  	_ =	shalt  }
0x7a: {  	_ =	shalt  }
0x7b: {  	_ =	shalt  }
0x7c: {  	_ =	shalt  }
0x7d: {  	_ =	shalt  }
0x7e: {  	_ =	shalt  }
0x7f: {  	_ =	shalt  }
0x80: {  	_ =	shalt  }
0x81: {  	_ =	shalt  }
0x82: {  	_ =	shalt  }
0x83: {  	_ =	shalt  }
0x84: {  	_ =	shalt  }
0x85: {  	_ =	shalt  }
0x86: {  	_ =	shalt  }
0x87: {  	_ =	shalt  }
.Lfunc_end0:
.L_simem_size_0:
called_computation.2_lowered:
.L_overlay_start_0:
0x88: {  	s2 =	sld [smem:$0x3FD9]  }
0x89: {  	s3 =	sld [smem:$0x3FFE];
	_ =	sdelay $0x1  }
0x8a: {  	s1 =	srdreg.scid  }
0x8b: {  	s0 =	sand.u32 $0x1, s1  }
0x8c: {  	s14 =	sshll.u32 s0, $0xA;
	s2 =	sadd.s32 s3, s2  }
0x8d: {  	s2 =	sadd.s32 s2, s14  }
0x8e: {  	[smem:$0x3FC4] =	sst s2  }
0x8f: {  	_ = 	snop  }
0x90: {  	s2 =	sld [smem:$0x3FD0];
	_ =	sdelay $0x2  }
0x91: {  	s15 =	simm.s32 $0xA;
	s4 =	simm.s32 $0x10  }
0x92: {  	[smem:s4], [sflag:s15] =	dma.local [hbm:s2], $0x1  }
0x93: {  	_ =	swait.eq [sflag:s15], $0x1  }
0x94: {  	[sflag:s15] =	ssyncset.done $0x0  }
0x95: {  	s16 =	sld [smem:$0x10];
	[sflag:s15] =	ssyncadd.s32 $0xFFFFFFFF  }
0x96: {  	s17 =	sld [smem:$0x11];
	(tm) =	ssettm $0x1  }
0x97: {  	s18 =	sld [smem:$0x3FFB];
	_ =	sdelay $0x3  }
0x98: {  	_ =	strace s18  }
0x99: {  	s4 =	sld [smem:$0x3FFC];
	_ =	sdelay $0x3  }
0x9a: {  	_ =	strace s4  }
0x9b: {  	s4 =	sld [smem:$0x3FFD];
	_ =	sdelay $0x3  }
0x9c: {  	_ =	strace s4  }
0x9d: {  	_ =	strace $0x8FFFFFFF  }
0x9e: {  	s19 =	sld [smem:$0x3FDB];
	_ =	sdelay $0x1  }
0x9f: {  	s5 =	simm.s32 $_scs_section_size  }
0xa0: {  	s6 =	simm.s32 $_size__tile_overlayer_lowered;
	s7 =	simm.s32 $_tile_overlayer_lowered  }
0xa1: {  	s22 =	simm.s32 $0x1BFF;
	s21 =	sshll.u32 s7, $0x1;
	s4 =	sadd.s32 s5, s19  }
0xa2: {  	s8 =	simm.s32 $0x0;
	s20 =	sshll.u32 s6, $0x1;
	s6 =	sadd.s32 s21, s4  }
0xa3: {  	[timem:s8], [sflag:s22] =	dma.local [hbm:s6], s20  }
0xa4: {  	_ =	swait.ge [sflag:s22], s20  }
0xa5: {  	s5 =	ssub.s32 $0x0, s20;
	[sflag:s22] =	ssyncset.done $0x0  }
0xa6: {  	[sflag:s22] =	ssyncadd.s32 s5;
	_ =	sdelay $0x1  }
0xa7: {  	s23 =	simm.s32 $0x1B8B  }
0xa8: {  	_ =	swait.ge [sflag:s23], $0x1  }
0xa9: {  	[sflag:s23] =	ssyncset.done $0x0  }
0xaa: {  	s25 =	simm.s32 $0x1B8E;
	s24 =	sld [smem:$0x3FFE];
	[sflag:s23] =	ssyncadd.s32 $0xFFFFFFFF  }
0xab: {  	s26 =	simm.s32 $execute0_lowered;
	[smem:$0x3FD2] =	sst s25  }
0xac: {  	s6 =	sshll.u32 s26, $0x1;
	_ =	strace $0x8000004C;
	[dreg:$0x1] =	wrdreg $0xFFFFFFFF  }
0xad: {  	s28 =	simm.s32 $_size_execute0_lowered;
	s4 =	sadd.s32 s4, s6;
	[dreg:$0x0] =	wrdreg $0x0  }
0xae: {  	s6 =	sshll.u32 s28, $0x1;
	[dreg:$0x2] =	wrdreg s4  }
0xaf: {  	[dreg:$0x3] =	wrdreg s6  }
0xb0: {  	[dreg:$0x4] =	wrdreg $0xC0  }
0xb1: {  	_ =	task [dreg:s8], $0x5FFFF  }
0xb2: {  	[dreg:$0x1] =	wrdreg $0xFFFFFFFF  }
0xb3: {  	[dreg:$0x0] =	wrdreg $0x60  }
0xb4: {  	[dreg:$0x2] =	wrdreg s17  }
0xb5: {  	[dreg:$0x3] =	wrdreg s24  }
0xb6: {  	[dreg:$0x4] =	wrdreg s16  }
0xb7: {  	[dreg:$0x5] =	wrdreg $0x62200  }
0xb8: {  	[dreg:$0x6] =	wrdreg $0x9  }
0xb9: {  	_ =	task.clear_ibuf [dreg:s8], $0x7FFFF;
	_ =	strace $0x9000004C  }
0xba: {  	s29 =	simm.s32 $0x9;
	_ =	strace $0x8000004E  }
0xbb: {  	_ =	swait.ge [sflag:s29], $0x1  }
0xbc: {  	[sflag:s29] =	ssyncadd.s32 $0xFFFFFFFF  }
0xbd: {  	_ =	strace $0x9000004E  }
0xbe: {  	_ =	sfence  }
0xbf: {  	s30 =	sld [smem:$0x0];
	_ =	sdelay $0x2  }
0xc0: {  	s31 =	sshll.u32 s1, $0xD;
	s1 =	sshrl.u32 s1, $0x2  }
0xc1: {  	s3 =	sand.u32 $0x4000, s31;
	s1 =	sadd.s32 s1, s30  }
0xc2: {  	s0 =	sor.u32 s3, s0;
	s1 =	sshll.u32 s1, $0x11  }
0xc3: {  	s0 =	sor.u32 s1, s0  }
0xc4: {  	s0 =	sadd.s32 $0x8F2B, s0  }
0xc5: {  	[sflag:s0] =	ssyncadd.remote.s32 $0x1  }
0xc6: {  	_ =	sfence.sel $0xFFFF  }
0xc7: {  	[dreg:$0x0] =	wrdreg $0xFFFFFFFF;
	(pc) =	sbr.abs _section_cstart, $3  }
0xc8: {  	[dreg:$0x1] =	wrdreg $0xFFFFFFFF  }
0xc9: {  	_ =	task.clear_ibuf [dreg:s8], $0x2FFFF;
	_ =	strace $0x9FFFFFFF  }
0xca: {  	(tm) =	ssettm $0x7FFFFFFF  }
0xcb: {  	_ =	shalt  }
tec
execute0_lowered:
.L_overlay_start_1:
0x0: {  	(tag) =	ssettag $0x1  }
0x1: {  	s1 =	rddreg [dreg:$0x0]  }
0x2: {  	s5 =	rddreg [dreg:$0x1]  }
0x3: {  	s7 =	rddreg [dreg:$0x2]  }
0x4: {  	s3 =	rddreg [dreg:$0x3]  }
0x5: {  	s0 =	rddreg [dreg:$0x4];
	s4 =	srdreg.scid  }
0x6: {  	s2 =	stileid.u32;
	s14 =	simm.s32 $0x50;
	s15 =	simm.s32 $0x4E20  }
0x7: {  	s16 =	simm.s32 $0x1;
	s17 =	simm.s32 $0x0;
	s6 =	sand.u32 $0x1, s4  }
0x8: {  	s8 =	sshll.u32 s2, $0x1;
	s9 =	smul.u32 $0xA000, s2;
	s4 =	simm.s32 $0x0  }
0x9: {  	s12 =	sshll.u32 s2, $0x6;
	s8 =	sor.u32 s6, s8;
	s10 =	smul.u32 $0xA0000, s6  }
0xa: {  	[smem:$0x7FF] =	sst s4;
	s6 =	ssub.s32 $0x2, s6;
	s12 =	sor.u32 $0x1C02, s12  }
0xb: {  	s8 =	smul.u32 $0x4E2, s8;
	_ =	strace $0x8000004D;
	s11 =	sshrl.u32 s6, $0x1  }
0xc: {  	s13 =	sadd.s32 s9, s3;
	s31 =	sshrl.u32 s9, $0x3;
	s10 =	sadd.s32 s9, s10  }
0xd: {  	s11 =	ssub.s32 s6, s11;
	s7 =	sadd.s32 s7, s31;
	s13 =	sshrl.u32 s13, $0x3  }
0xe: {  	s8 =	sadd.s32 s8, s5;
	s10 =	sshrl.u32 s10, $0x3;
	s9 =	smax.u32 s11, $0x1  }
0xf: {  	s11 =	simm.s32 $0x2710;
	s10 =	sadd.s32 s10, s5;
	s5 =	sadd.s32 $0x1C00, s8  }
0x10: {  	s6 =	sadd.s32 $0xBA00, s8;
	s8 =	sadd.s32 $0x15800, s10;
	s10 =	simm.s32 $0x2  }
.LBB2_1:
0x11: {  	[tilespmem:s4], [sflag:$0x2] =	stream.linear.gather [hbm4b:s5+s4], $0x2710, $0x38;
	[tilespmem:$0x10220] =	vst v63  }
0x12: {  	_ =	swait.ge [sflag:s10], $0x2710  }
0x13: {  	[sflag:s10] =	ssyncset.done $0x0  }
0x14: {  	[sflag:s10] =	ssyncadd.s32 $0xFFFFD8F0  }
0x15: {  	[tilespmem:s11], [sflag:$0x2] =	stream.linear.gather [hbm4b:s6+s4], $0x2710, $0x38;
	[tilespmem:$0x10220] =	vst v63  }
0x16: {  	_ =	swait.ge [sflag:s10], $0x2710  }
0x17: {  	[sflag:s10] =	ssyncset.done $0x0  }
0x18: {  	[sflag:s10] =	ssyncadd.s32 $0xFFFFD8F0  }
0x19: {  	[spmem:s13], [sflag:s12] =	dma.local [hbm:s7], $0x1400  }
0x1a: {  	_ =	swait.ge [sflag:s10], $0x1400  }
0x1b: {  	[sflag:s10] =	ssyncset.done $0x0  }
0x1c: {  	[sflag:s10] =	ssyncadd.s32 $0xFFFFEC00  }
0x1d: {  	s18 =	simm.s32 $0x0;
	[bflag:$0x0] =	sbarrier.arrive $0xFFFF  }
0x1e: {  	[tilespmem:s15], [sflag:$0x1] =	stream.indirect.gather [hbm4b:s1+s14], $0x40, s18, s14, $0xb8;
	[tilespmem:$0x10220] =	vst v63  }
0x1f: {  	_ =	swait.ge [sflag:s16], $0x1400  }
0x20: {  	[sflag:s16] =	ssyncset.done $0x0  }
0x21: {  	s31 =	simm.s32 $0x2710;
	[sflag:s16] =	ssyncadd.s32 $0xFFFFEC00  }
0x22: {  	[spmem:s3] =	stream.indirect.scatter.add.f32 [tilespmem:s15], [sflag:$0x2], $0x40, s31, s14, $0xb8;
	[tilespmem:$0x10220] =	vst v63  }
0x23: {  	_ =	swait.ge [sflag:s10], $0x1400  }
0x24: {  	s19 =	simm.s32 $0x280;
	s18 =	simm.s32 $0x140;
	[sflag:s10] =	ssyncset.done $0x0  }
.LBB2_2:
0x25: {  	s20 =	sshra.s32 s18, $0x2  }
0x26: {  	[sflag:s10] =	ssyncadd.s32 $0xFFFFEC00;
	s18 =	smov.u32 s19;
	s21 =	sadd.s32 $0x140, s19  }
0x27: {  	[tilespmem:s15], [sflag:$0x1] =	stream.indirect.gather [hbm4b:s1+s14], $0x40, s20, s14, $0xb8;
	[tilespmem:$0x10220] =	vst v63  }
0x28: {  	p0 =	sne.s32 s19, $0x9B00;
	_ =	swait.ge [sflag:s16], $0x1400  }
.Ltmp0:
0x29: {  	[sflag:s16] =	ssyncset.done $0x0;
	(pc) =	sbr.rel @p0 .LBB2_2-.Ltmp0, $4  }
0x2a: {  	s19 =	sadd.s32 $0x2710, s20;
	[sflag:s16] =	ssyncadd.s32 $0xFFFFEC00  }
0x2b: {  	[spmem:s3] =	stream.indirect.scatter.add.f32 [tilespmem:s15], [sflag:$0x2], $0x40, s19, s14, $0xb8;
	[tilespmem:$0x10220] =	vst v63  }
0x2c: {  	_ =	swait.ge [sflag:s10], $0x1400  }
0x2d: {  	s19 =	smov.u32 s21;
	[sflag:s10] =	ssyncset.done $0x0  }
0x2e: {  	s18 =	sshra.s32 s18, $0x2;
	[sflag:s10] =	ssyncadd.s32 $0xFFFFEC00  }
0x2f: {  	[tilespmem:s15], [sflag:$0x1] =	stream.indirect.gather [hbm4b:s1+s14], $0x40, s18, s14, $0xb8;
	[tilespmem:$0x10220] =	vst v63  }
0x30: {  	_ =	swait.ge [sflag:s16], $0x1400  }
0x31: {  	[sflag:s16] =	ssyncset.done $0x0  }
0x32: {  	s18 =	sadd.s32 $0x2710, s18;
	[sflag:s16] =	ssyncadd.s32 $0xFFFFEC00  }
0x33: {  	[spmem:s3] =	stream.indirect.scatter.add.f32 [tilespmem:s15], [sflag:$0x2], $0x40, s18, s14, $0xb8;
	[tilespmem:$0x10220] =	vst v63  }
0x34: {  	_ =	swait.ge [sflag:s10], $0x1400  }
0x35: {  	s17 =	sadd.s32 $0x1, s17;
	[sflag:s10] =	ssyncset.done $0x0  }
0x36: {  	p0 =	sne.s32 s17, s9;
	[sflag:s10] =	ssyncadd.s32 $0xFFFFEC00  }
.Ltmp1:
0x37: {  	[bflag:$0x0] =	sbarrier.arrive $0xFFFF;
	(pc) =	sbr.rel @p0 .LBB2_1-.Ltmp1, $4  }
0x38: {  	[hbm:s8], [sflag:s12] =	dma.local [spmem:s13], $0x1400  }
0x39: {  	_ =	swait.ge [sflag:s10], $0x1400  }
0x3a: {  	[sflag:s10] =	ssyncset.done $0x0  }
0x3b: {  	[sflag:s10] =	ssyncadd.s32 $0xFFFFEC00  }
0x3c: {  	_ =	sfence.sel $0x180000  }
0x3d: {  	[bflag:$0x0] =	sbarrier.arrive $0xFFFF  }
0x3e: {  	p0 =	sne.s32 s2, $0x0;
	_ =	strace $0x9000004D  }
0x3f: {  	s0 =	sadd.s32 @!p0 $0x100000, s0;
	[bflag:$0x2] =	sbarrier.arrive $0xFFFF  }
0x40: {  	[sflag:s0] =	ssyncadd.tile.s32 @!p0 $0x1;
	_ =	shalt  }
.Lfunc_end2:
_tile_overlayer_lowered:
.L_overlay_start_2:
0x41: {  	(tag) =	ssettag $0x2  }
0x42: {  	s0 =	rddreg [dreg:$0x0];
	s2 =	stileid.u32  }
0x43: {  	s1 =	rddreg [dreg:$0x1];
	p0 =	sne.s32 s2, $0x0  }
0x44: {  	s3 =	rddreg [dreg:$0x2];
	[bflag:$0x3] =	sbarrier.arrive $0xFFFF;
	s2 =	simm.s32 @!p0 $0x1C02  }
0x45: {  	[timem:s3], [sflag:s2] =	dma.local @!p0 [hbm:s0], s1  }
0x46: {  	s0 =	simm.s32 @!p0 $0x2  }
0x47: {  	_ =	swait.ge @!p0 [sflag:s0], s1  }
0x48: {  	s1 =	ssub.s32 @!p0 $0x0, s1;
	[sflag:s0] =	ssyncset.done @!p0 $0x0  }
0x49: {  	[sflag:s0] =	ssyncadd.s32 @!p0 s1  }
0x4a: {  	[bflag:$0x3] =	sbarrier.arrive $0xFFFF  }
0x4b: {  	_ =	shalt  }

// kernel: kernel.9.cloned.1.call-start
scs
__scs_entry_jumppad:
0x0: {  	(pc) =	sbr.rel $0x88, $3  }
0x1: {  	(tag) =	ssettag $0x0;
	lr =	simm.s32 $0x1  }
0x2: {  	[smem:$0x3F9D] =	sst lr;
	_ =	strace $0xD0000000  }
0x3: {  	_ = 	snop  }
0x4: {  	_ = 	snop  }
0x5: {  	_ = 	snop  }
0x6: {  	_ = 	snop  }
0x7: {  	_ = 	snop  }
__scs_overlays_trampoline_lowered:
0x8: {  	[smem:$0x3FAC] =	sst s0  }
0x9: {  	[smem:$0x3FAD] =	sst s1  }
0xa: {  	[smem:$0x3FAE] =	sst s2  }
0xb: {  	[smem:$0x3FAF] =	sst s3  }
0xc: {  	[smem:$0x3FB0] =	sst s4  }
0xd: {  	[smem:$0x3FB1] =	sst s5  }
0xe: {  	[smem:$0x3FB2] =	sst s6  }
0xf: {  	[smem:$0x3FB3] =	sst s7  }
0x10: {  	[smem:$0x3FB4] =	sst s8  }
0x11: {  	[smem:$0x3FB5] =	sst s9;
	s0 =	simm.s32 @!p0 $0x0  }
0x12: {  	s1 =	sld [smem:$0x3F9B];
	s0 =	simm.s32 @p0 $0x1  }
0x13: {  	[smem:$0x3FB6] =	sst s0;
	s0 =	simm.s32 @!p1 $0x0  }
0x14: {  	s2 =	sld [smem:$0x3F9A];
	s0 =	simm.s32 @p1 $0x1  }
0x15: {  	[smem:$0x3FB7] =	sst s0;
	s0 =	simm.s32 @!p2 $0x0  }
0x16: {  	s3 =	sld [smem:$0x3FDB];
	s0 =	simm.s32 @p2 $0x1  }
0x17: {  	s4 =	simm.s32 $0x1BF5;
	[smem:$0x3FB9] =	sst s0  }
0x18: {  	s0 =	sld [smem:$0x3F9C];
	_ =	swait.ge [sflag:s4], $0x0  }
0x19: {  	s7 =	sld [smem:$0x3F9D]  }
0x1a: {  	s8 =	sadd.s32 $0xFFFFE003, lr  }
0x1b: {  	s9 =	sadd.s32 $0xFFFFFEF7, lr;
	s5 =	simm.s32 $0xFFFFFFFF;
	p2 =	slt.u32 s8, $0xFFFFF086  }
0x1c: {  	p1 =	slt.u32 s9, $0xF7A;
	s5 =	simm.s32 @!p2 $0x0  }
0x1d: {  	s5 =	simm.s32 @p1 $0x1;
	p0 =	seq.s32 s7, s2  }
0x1e: {  	s7 =	smul.u32 @!p0 $0xF7A, s2;
	p2 =	seq.s32 @!p0 s5, $0x0  }
0x1f: {  	s9 =	smul.u32 $0xF7A, s1;
	s8 =	simm.s32 @!p0 $0x1BF5;
	p2 =	por !p2, p0  }
0x20: {  	[sflag:s8] =	ssyncset.s32 @!p0 $0xFFFFF086;
	s6 =	sadd.s32 @!p0 s3, s7;
	s7 =	simm.s32 @!p0 $0x108  }
0x21: {  	s3 =	sadd.s32 s3, s9;
	s6 =	sadd.s32 @!p0 $0x88, s6;
	s7 =	simm.s32 @p2 $0x1082  }
0x22: {  	[simem:s7], [sflag:s8] =	dma.local @!p0 [hbm:s6], $0xF7A  }
0x23: {  	s9 =	sor.u32 $0xD0000000, s2;
	s6 =	simm.s32 $0x108;
	_ =	swait.ge @!p0 [sflag:s8], $0x0  }
0x24: {  	s3 =	sadd.s32 $0x88, s3;
	s6 =	simm.s32 @!p1 $0x1082;
	[sflag:s4] =	ssyncset.s32 $0xFFFFF086  }
0x25: {  	[simem:s6], [sflag:s4] =	dma.local [hbm:s3], $0xF7A  }
0x26: {  	[smem:$0x3F9D] =	sst s1;
	(tag) =	ssettag s2;
	_ =	strace s9  }
0x27: {  	s1 =	sld [smem:$0x3FAD]  }
0x28: {  	s2 =	sld [smem:$0x3FAE]  }
0x29: {  	s4 =	sld [smem:$0x3FB0]  }
0x2a: {  	p0 =	seq.s32 s5, $0x0;
	s5 =	sld [smem:$0x3FB1]  }
0x2b: {  	s6 =	sld [smem:$0x3FB2]  }
0x2c: {  	s7 =	sld [smem:$0x3FB3]  }
0x2d: {  	s3 =	simm.s32 $0x108;
	s8 =	sld [smem:$0x3FB4]  }
0x2e: {  	s3 =	simm.s32 @!p0 $0x1082;
	s9 =	sld [smem:$0x3FB5]  }
0x2f: {  	lr =	sadd.s32 s0, s3;
	s0 =	sld [smem:$0x3FAC]  }
0x30: {  	s3 =	sld [smem:$0x3FAF]  }
0x31: {  	[smem:$0x3FB8] =	sst s10  }
0x32: {  	s10 =	sld [smem:$0x3FB6];
	_ =	sdelay $0x3  }
0x33: {  	p0 =	seq.s32 s10, $0x1;
	s10 =	sld [smem:$0x3FB8];
	_ =	sdelay $0x3  }
0x34: {  	[smem:$0x3FB8] =	sst s10  }
0x35: {  	s10 =	sld [smem:$0x3FB7];
	_ =	sdelay $0x3  }
0x36: {  	p1 =	seq.s32 s10, $0x1;
	s10 =	sld [smem:$0x3FB8];
	_ =	sdelay $0x3  }
0x37: {  	[smem:$0x3FB8] =	sst s10  }
0x38: {  	s10 =	sld [smem:$0x3FB9]  }
0x39: {  	_ = 	snop;
	(pc) =	sbr.ind lr, $3  }
0x3a: {  	_ = 	snop  }
0x3b: {  	_ = 	snop  }
0x3c: {  	p2 =	seq.s32 s10, $0x1;
	s10 =	sld [smem:$0x3FB8]  }
0x3d: {  	_ =	shalt  }
0x3e: {  	_ =	shalt  }
0x3f: {  	_ =	shalt  }
0x40: {  	_ =	shalt  }
0x41: {  	_ =	shalt  }
0x42: {  	_ =	shalt  }
0x43: {  	_ =	shalt  }
0x44: {  	_ =	shalt  }
0x45: {  	_ =	shalt  }
0x46: {  	_ =	shalt  }
0x47: {  	_ =	shalt  }
0x48: {  	_ =	shalt  }
0x49: {  	_ =	shalt  }
0x4a: {  	_ =	shalt  }
0x4b: {  	_ =	shalt  }
0x4c: {  	_ =	shalt  }
0x4d: {  	_ =	shalt  }
0x4e: {  	_ =	shalt  }
0x4f: {  	_ =	shalt  }
0x50: {  	_ =	shalt  }
0x51: {  	_ =	shalt  }
0x52: {  	_ =	shalt  }
0x53: {  	_ =	shalt  }
0x54: {  	_ =	shalt  }
0x55: {  	_ =	shalt  }
0x56: {  	_ =	shalt  }
0x57: {  	_ =	shalt  }
0x58: {  	_ =	shalt  }
0x59: {  	_ =	shalt  }
0x5a: {  	_ =	shalt  }
0x5b: {  	_ =	shalt  }
0x5c: {  	_ =	shalt  }
0x5d: {  	_ =	shalt  }
0x5e: {  	_ =	shalt  }
0x5f: {  	_ =	shalt  }
0x60: {  	_ =	shalt  }
0x61: {  	_ =	shalt  }
0x62: {  	_ =	shalt  }
0x63: {  	_ =	shalt  }
0x64: {  	_ =	shalt  }
0x65: {  	_ =	shalt  }
0x66: {  	_ =	shalt  }
0x67: {  	_ =	shalt  }
0x68: {  	_ =	shalt  }
0x69: {  	_ =	shalt  }
0x6a: {  	_ =	shalt  }
0x6b: {  	_ =	shalt  }
0x6c: {  	_ =	shalt  }
0x6d: {  	_ =	shalt  }
0x6e: {  	_ =	shalt  }
0x6f: {  	_ =	shalt  }
0x70: {  	_ =	shalt  }
0x71: {  	_ =	shalt  }
0x72: {  	_ =	shalt  }
0x73: {  	_ =	shalt  }
0x74: {  	_ =	shalt  }
0x75: {  	_ =	shalt  }
0x76: {  	_ =	shalt  }
0x77: {  	_ =	shalt  }
0x78: {  	_ =	shalt  }
0x79: {  	_ =	shalt  }
0x7a: {  	_ =	shalt  }
0x7b: {  	_ =	shalt  }
0x7c: {  	_ =	shalt  }
0x7d: {  	_ =	shalt  }
0x7e: {  	_ =	shalt  }
0x7f: {  	_ =	shalt  }
0x80: {  	_ =	shalt  }
0x81: {  	_ =	shalt  }
0x82: {  	_ =	shalt  }
0x83: {  	_ =	shalt  }
0x84: {  	_ =	shalt  }
0x85: {  	_ =	shalt  }
0x86: {  	_ =	shalt  }
0x87: {  	_ =	shalt  }
.Lfunc_end0:
.L_simem_size_0:
called_computation_lowered:
.L_overlay_start_0:
0x88: {  	s2 =	sld [smem:$0x3FD9]  }
0x89: {  	s3 =	sld [smem:$0x3FFE];
	_ =	sdelay $0x1  }
0x8a: {  	s1 =	srdreg.scid  }
0x8b: {  	s0 =	sand.u32 $0x1, s1  }
0x8c: {  	s14 =	sshll.u32 s0, $0xA;
	s2 =	sadd.s32 s3, s2  }
0x8d: {  	s2 =	sadd.s32 s2, s14  }
0x8e: {  	[smem:$0x3FC4] =	sst s2  }
0x8f: {  	_ = 	snop  }
0x90: {  	s2 =	sld [smem:$0x3FD0];
	_ =	sdelay $0x2  }
0x91: {  	s15 =	simm.s32 $0xA;
	s4 =	simm.s32 $0x10  }
0x92: {  	[smem:s4], [sflag:s15] =	dma.local [hbm:s2], $0x1  }
0x93: {  	_ =	swait.eq [sflag:s15], $0x1  }
0x94: {  	[sflag:s15] =	ssyncset.done $0x0  }
0x95: {  	s16 =	sld [smem:$0x10];
	[sflag:s15] =	ssyncadd.s32 $0xFFFFFFFF  }
0x96: {  	s17 =	sld [smem:$0x11];
	(tm) =	ssettm $0x1  }
0x97: {  	s18 =	sld [smem:$0x3FFB];
	_ =	sdelay $0x3  }
0x98: {  	_ =	strace s18  }
0x99: {  	s4 =	sld [smem:$0x3FFC];
	_ =	sdelay $0x3  }
0x9a: {  	_ =	strace s4  }
0x9b: {  	s4 =	sld [smem:$0x3FFD];
	_ =	sdelay $0x3  }
0x9c: {  	_ =	strace s4  }
0x9d: {  	_ =	strace $0x8FFFFFFF  }
0x9e: {  	s19 =	sld [smem:$0x3FDB];
	_ =	sdelay $0x1  }
0x9f: {  	s5 =	simm.s32 $_scs_section_size  }
0xa0: {  	s6 =	simm.s32 $_size__tile_overlayer_lowered;
	s7 =	simm.s32 $_tile_overlayer_lowered  }
0xa1: {  	s22 =	simm.s32 $0x1BFF;
	s21 =	sshll.u32 s7, $0x1;
	s4 =	sadd.s32 s5, s19  }
0xa2: {  	s8 =	simm.s32 $0x0;
	s20 =	sshll.u32 s6, $0x1;
	s6 =	sadd.s32 s21, s4  }
0xa3: {  	[timem:s8], [sflag:s22] =	dma.local [hbm:s6], s20  }
0xa4: {  	_ =	swait.ge [sflag:s22], s20  }
0xa5: {  	s5 =	ssub.s32 $0x0, s20;
	[sflag:s22] =	ssyncset.done $0x0  }
0xa6: {  	[sflag:s22] =	ssyncadd.s32 s5;
	_ =	sdelay $0x1  }
0xa7: {  	s23 =	simm.s32 $0x1B8B  }
0xa8: {  	_ =	swait.ge [sflag:s23], $0x1  }
0xa9: {  	[sflag:s23] =	ssyncset.done $0x0  }
0xaa: {  	s25 =	simm.s32 $0x1B8E;
	s24 =	sld [smem:$0x3FFE];
	[sflag:s23] =	ssyncadd.s32 $0xFFFFFFFF  }
0xab: {  	s26 =	simm.s32 $execute0_lowered;
	[smem:$0x3FD2] =	sst s25  }
0xac: {  	s6 =	sshll.u32 s26, $0x1;
	_ =	strace $0x80000046;
	[dreg:$0x1] =	wrdreg $0xFFFFFFFF  }
0xad: {  	s28 =	simm.s32 $_size_execute0_lowered;
	s4 =	sadd.s32 s4, s6;
	[dreg:$0x0] =	wrdreg $0x0  }
0xae: {  	s6 =	sshll.u32 s28, $0x1;
	[dreg:$0x2] =	wrdreg s4  }
0xaf: {  	[dreg:$0x3] =	wrdreg s6  }
0xb0: {  	[dreg:$0x4] =	wrdreg $0xC0  }
0xb1: {  	_ =	task [dreg:s8], $0x5FFFF  }
0xb2: {  	[dreg:$0x1] =	wrdreg $0xFFFFFFFF  }
0xb3: {  	[dreg:$0x0] =	wrdreg $0x60  }
0xb4: {  	[dreg:$0x2] =	wrdreg s24  }
0xb5: {  	[dreg:$0x3] =	wrdreg s16  }
0xb6: {  	[dreg:$0x4] =	wrdreg s17  }
0xb7: {  	[dreg:$0x5] =	wrdreg $0x2C100  }
0xb8: {  	[dreg:$0x6] =	wrdreg $0x9  }
0xb9: {  	_ =	task.clear_ibuf [dreg:s8], $0x7FFFF;
	_ =	strace $0x90000046  }
0xba: {  	s29 =	simm.s32 $0x9;
	_ =	strace $0x80000048  }
0xbb: {  	_ =	swait.ge [sflag:s29], $0x1  }
0xbc: {  	[sflag:s29] =	ssyncadd.s32 $0xFFFFFFFF  }
0xbd: {  	_ =	strace $0x90000048  }
0xbe: {  	_ =	sfence  }
0xbf: {  	s30 =	sld [smem:$0x0];
	_ =	sdelay $0x2  }
0xc0: {  	s31 =	sshll.u32 s1, $0xD;
	s1 =	sshrl.u32 s1, $0x2  }
0xc1: {  	s3 =	sand.u32 $0x4000, s31;
	s1 =	sadd.s32 s1, s30  }
0xc2: {  	s0 =	sor.u32 s3, s0;
	s1 =	sshll.u32 s1, $0x11  }
0xc3: {  	s0 =	sor.u32 s1, s0  }
0xc4: {  	s0 =	sadd.s32 $0x8F2B, s0  }
0xc5: {  	[sflag:s0] =	ssyncadd.remote.s32 $0x1  }
0xc6: {  	_ =	sfence.sel $0xFFFF  }
0xc7: {  	[dreg:$0x0] =	wrdreg $0xFFFFFFFF;
	(pc) =	sbr.abs _section_cstart, $3  }
0xc8: {  	[dreg:$0x1] =	wrdreg $0xFFFFFFFF  }
0xc9: {  	_ =	task.clear_ibuf [dreg:s8], $0x2FFFF;
	_ =	strace $0x9FFFFFFF  }
0xca: {  	(tm) =	ssettm $0x7FFFFFFF  }
0xcb: {  	_ =	shalt  }
tec
execute0_lowered:
.L_overlay_start_1:
0x0: {  	(tag) =	ssettag $0x1  }
0x1: {  	s4 =	rddreg [dreg:$0x0]  }
0x2: {  	s5 =	rddreg [dreg:$0x1];
	s1 =	srdreg.scid  }
0x3: {  	s0 =	stileid.u32;
	s6 =	rddreg [dreg:$0x2]  }
0x4: {  	s2 =	rddreg [dreg:$0x3];
	s12 =	simm.s32 $0x2710;
	s13 =	simm.s32 $0x0  }
0x5: {  	s7 =	sand.u32 $0x1, s1;
	s28 =	sshll.u32 s0, $0x1;
	s10 =	smul.u32 $0x2800, s0  }
0x6: {  	s3 =	sor.u32 s7, s28;
	s9 =	ssub.s32 $0x2, s7;
	s7 =	smul.u32 $0x28000, s7  }
0x7: {  	s1 =	rddreg [dreg:$0x4];
	s31 =	sshll.u32 s0, $0x6;
	s8 =	smul.u32 $0x4E2, s3  }
0x8: {  	s3 =	simm.s32 $0x0;
	s11 =	sshrl.u32 s9, $0x1;
	s30 =	sshrl.u32 s10, $0x3  }
0x9: {  	[smem:$0x7FF] =	sst s3;
	s29 =	ssub.s32 s9, s11;
	s7 =	sadd.s32 s10, s7  }
0xa: {  	s10 =	sadd.s32 s10, s2;
	s5 =	sadd.s32 s5, s30;
	s9 =	sor.u32 $0x1C01, s31  }
0xb: {  	s11 =	simm.s32 $0x50;
	_ =	strace $0x80000047;
	s4 =	sadd.s32 s8, s4  }
0xc: {  	s7 =	sshrl.u32 s7, $0x3;
	s8 =	simm.s32 $0x1;
	s10 =	sshrl.u32 s10, $0x3  }
0xd: {  	v0 =	vimm.f32 $1.000000000e+00;
	s4 =	sadd.s32 $0xBA00, s4;
	s6 =	sadd.s32 s6, s7;
	s7 =	smax.u32 s29, $0x1  }
.LBB2_1:
0xe: {  	[tilespmem:s3], [sflag:$0x1] =	stream.linear.gather [hbm4b:s4+s3], $0x2710, $0x38;
	[tilespmem:$0x5410] =	vst v63  }
0xf: {  	_ =	swait.ge [sflag:s8], $0x2710  }
0x10: {  	[sflag:s8] =	ssyncset.done $0x0  }
0x11: {  	s14 =	simm.s32 $0x40;
	s15 =	simm.s32 $0x0;
	[sflag:s8] =	ssyncadd.s32 $0xFFFFD8F0  }
.LBB2_2:
0x12: {  	p0 =	sne.s32 s14, $0x13C0;
	[tilespmem:s15+$0x2710] =	vst v0;
	s15 =	smov.u32 s14;
	s14 =	sadd.s32 $0x40, s14  }
.Ltmp0:
0x13: {  	(pc) =	sbr.rel @p0 .LBB2_2-.Ltmp0, $2  }
0x14: {  	_ =	sdelay $0x2  }
0x15: {  	s15 =	sshra.s32 s15, $0x2  }
0x16: {  	[tilespmem:s15+$0x2710] =	vst v0  }
0x17: {  	[spmem:s10], [sflag:s9] =	dma.local [hbm:s5], $0x500  }
0x18: {  	_ =	swait.ge [sflag:s8], $0x500  }
0x19: {  	[sflag:s8] =	ssyncset.done $0x0  }
0x1a: {  	[sflag:s8] =	ssyncadd.s32 $0xFFFFFB00  }
0x1b: {  	s14 =	simm.s32 $0x0;
	[bflag:$0x0] =	sbarrier.arrive $0xFFFF  }
0x1c: {  	[spmem:s2] =	stream.indirect.scatter.add.f32 [tilespmem:s12], [sflag:$0x1], $0x10, s14, s11, $0xb8;
	[tilespmem:$0x5410] =	vst v63  }
0x1d: {  	_ =	swait.ge [sflag:s8], $0x500  }
0x1e: {  	s14 =	simm.s32 $0x140;
	[sflag:s8] =	ssyncset.done $0x0  }
.LBB2_4:
0x1f: {  	s15 =	sshra.s32 s14, $0x2;
	[sflag:s8] =	ssyncadd.s32 $0xFFFFFB00;
	p0 =	sne.s32 s14, $0x9B00  }
0x20: {  	[spmem:s2] =	stream.indirect.scatter.add.f32 [tilespmem:s12], [sflag:$0x1], $0x10, s15, s11, $0xb8;
	[tilespmem:$0x5410] =	vst v63  }
.Ltmp1:
0x21: {  	_ = 	snop;
	(pc) =	sbr.rel @p0 .LBB2_4-.Ltmp1, $4  }
0x22: {  	_ = 	snop  }
0x23: {  	s14 =	sadd.s32 $0x140, s14  }
0x24: {  	_ =	swait.ge [sflag:s8], $0x500  }
0x25: {  	[sflag:s8] =	ssyncset.done $0x0  }
0x26: {  	s13 =	sadd.s32 $0x1, s13  }
0x27: {  	[sflag:s8] =	ssyncadd.s32 $0xFFFFFB00;
	p0 =	sne.s32 s13, s7  }
.Ltmp2:
0x28: {  	[bflag:$0x0] =	sbarrier.arrive $0xFFFF;
	(pc) =	sbr.rel @p0 .LBB2_1-.Ltmp2, $4  }
0x29: {  	[hbm:s6], [sflag:s9] =	dma.local [spmem:s10], $0x500  }
0x2a: {  	_ =	swait.ge [sflag:s8], $0x500  }
0x2b: {  	[sflag:s8] =	ssyncset.done $0x0  }
0x2c: {  	[sflag:s8] =	ssyncadd.s32 $0xFFFFFB00  }
0x2d: {  	_ =	sfence.sel $0x180000  }
0x2e: {  	[bflag:$0x0] =	sbarrier.arrive $0xFFFF  }
0x2f: {  	p0 =	sne.s32 s0, $0x0;
	_ =	strace $0x90000047  }
0x30: {  	s0 =	sadd.s32 @!p0 $0x100000, s1;
	[bflag:$0x2] =	sbarrier.arrive $0xFFFF  }
0x31: {  	[sflag:s0] =	ssyncadd.tile.s32 @!p0 $0x1;
	_ =	shalt  }
.Lfunc_end2:
_tile_overlayer_lowered:
.L_overlay_start_2:
0x32: {  	(tag) =	ssettag $0x2  }
0x33: {  	s0 =	rddreg [dreg:$0x0];
	s2 =	stileid.u32  }
0x34: {  	s1 =	rddreg [dreg:$0x1];
	p0 =	sne.s32 s2, $0x0  }
0x35: {  	s3 =	rddreg [dreg:$0x2];
	[bflag:$0x3] =	sbarrier.arrive $0xFFFF;
	s2 =	simm.s32 @!p0 $0x1C01  }
0x36: {  	[timem:s3], [sflag:s2] =	dma.local @!p0 [hbm:s0], s1  }
0x37: {  	s0 =	simm.s32 @!p0 $0x1  }
0x38: {  	_ =	swait.ge @!p0 [sflag:s0], s1  }
0x39: {  	s1 =	ssub.s32 @!p0 $0x0, s1;
	[sflag:s0] =	ssyncset.done @!p0 $0x0  }
0x3a: {  	[sflag:s0] =	ssyncadd.s32 @!p0 s1  }
0x3b: {  	[bflag:$0x3] =	sbarrier.arrive $0xFFFF  }
0x3c: {  	_ =	shalt  }

</sc_bundles>
